<compile_context>
chip_gen: v7x
topology: tpu7x:2x2x1
jax: 0.10.2.dev20260603
libtpu: 0.0.44.dev20260713+nightly
codegen_flags: <defaults>
</compile_context>

<pallas_src>
import functools

import jax
import jax.numpy as jnp
from jax import lax
from jax.experimental import pallas as pl
from jax.experimental.pallas import tpu as pltpu
from jax.experimental.pallas import tpu_sc as plsc

N_LEVELS = 16
N_MIN_F = 16.0
N_MAX_F = 512.0
HASH_EXP = 19
T = 2 ** HASH_EXP
MASK = T - 1
PI2_I32 = -1640531535
NW = 32


def _make_kernel(n_coords, chunk):
    per_w = n_coords // NW
    n_chunks = per_w // chunk
    assert per_w % chunk == 0 and chunk % 16 == 0

    mesh = plsc.VectorSubcoreMesh(core_axis_name="c", subcore_axis_name="s")

    @functools.partial(
        pl.kernel,
        out_type=jax.ShapeDtypeStruct((n_coords * 32,), jnp.float32),
        mesh=mesh,
        scratch_types=dict(
            res_v=pltpu.VMEM((N_LEVELS,), jnp.int32),
            xs_v=pltpu.VMEM((chunk,), jnp.int32),
            ys_v=pltpu.VMEM((chunk,), jnp.int32),
            i00a=pltpu.VMEM((chunk,), jnp.int32),
            i00b=pltpu.VMEM((chunk,), jnp.int32),
            i01a=pltpu.VMEM((chunk,), jnp.int32),
            i01b=pltpu.VMEM((chunk,), jnp.int32),
            i10a=pltpu.VMEM((chunk,), jnp.int32),
            i10b=pltpu.VMEM((chunk,), jnp.int32),
            i11a=pltpu.VMEM((chunk,), jnp.int32),
            i11b=pltpu.VMEM((chunk,), jnp.int32),
            wx_v=pltpu.VMEM((chunk,), jnp.float32),
            wy_v=pltpu.VMEM((chunk,), jnp.float32),
            f00a=pltpu.VMEM((chunk,), jnp.float32),
            f00b=pltpu.VMEM((chunk,), jnp.float32),
            f01a=pltpu.VMEM((chunk,), jnp.float32),
            f01b=pltpu.VMEM((chunk,), jnp.float32),
            f10a=pltpu.VMEM((chunk,), jnp.float32),
            f10b=pltpu.VMEM((chunk,), jnp.float32),
            f11a=pltpu.VMEM((chunk,), jnp.float32),
            f11b=pltpu.VMEM((chunk,), jnp.float32),
            out_v=pltpu.VMEM((chunk * 32,), jnp.float32),
            sem=pltpu.SemaphoreType.DMA,
        ),
        compiler_params=pltpu.CompilerParams(needs_layout_passes=False),
    )
    def ngp_kernel(tab, xs, ys, res, out, res_v, xs_v, ys_v,
                   i00a, i00b, i01a, i01b, i10a, i10b, i11a, i11b,
                   wx_v, wy_v,
                   f00a, f00b, f01a, f01b, f10a, f10b, f11a, f11b,
                   out_v, sem):
        pltpu.sync_copy(res, res_v)
        wid = lax.axis_index("s") * 2 + lax.axis_index("c")
        iota = lax.iota(jnp.int32, 16)

        def chunk_body(ci, carry0):
            base = pl.multiple_of(wid * per_w + ci * chunk, chunk)
            pltpu.sync_copy(xs.at[pl.ds(base, chunk)], xs_v)
            pltpu.sync_copy(ys.at[pl.ds(base, chunk)], ys_v)

            def level_body(l, carry1):
                r = plsc.load_gather(res_v, [jnp.full((16,), l, jnp.int32)])
                off2 = l * (T * 2)

                def idx_body(j, carry, r=r, off2=off2):
                    s = j * 16
                    cx = xs_v[pl.ds(s, 16)]
                    cy = ys_v[pl.ds(s, 16)]
                    px = cx * r
                    py = cy * r
                    x0 = px >> 9
                    y0 = py >> 9
                    hy0 = y0 * PI2_I32
                    hy1 = hy0 + PI2_I32
                    x1 = x0 + 1
                    v00 = (((x0 ^ hy0) & MASK) << 1) + off2
                    v01 = (((x0 ^ hy1) & MASK) << 1) + off2
                    v10 = (((x1 ^ hy0) & MASK) << 1) + off2
                    v11 = (((x1 ^ hy1) & MASK) << 1) + off2
                    i00a[pl.ds(s, 16)] = v00
                    i00b[pl.ds(s, 16)] = v00 + 1
                    i01a[pl.ds(s, 16)] = v01
                    i01b[pl.ds(s, 16)] = v01 + 1
                    i10a[pl.ds(s, 16)] = v10
                    i10b[pl.ds(s, 16)] = v10 + 1
                    i11a[pl.ds(s, 16)] = v11
                    i11b[pl.ds(s, 16)] = v11 + 1
                    wx_v[pl.ds(s, 16)] = (px & 511).astype(jnp.float32) * (1.0 / 512.0)
                    wy_v[pl.ds(s, 16)] = (py & 511).astype(jnp.float32) * (1.0 / 512.0)
                    return carry

                lax.fori_loop(jnp.int32(0), jnp.int32(chunk // 16), idx_body,
                              jnp.int32(0))

                cps = [pltpu.async_copy(tab.at[i], f, sem)
                       for i, f in ((i00a, f00a), (i00b, f00b),
                                    (i01a, f01a), (i01b, f01b),
                                    (i10a, f10a), (i10b, f10b),
                                    (i11a, f11a), (i11b, f11b))]
                for cp in cps:
                    cp.wait()

                def interp_body(j, carry, l=l):
                    s = j * 16
                    a00 = f00a[pl.ds(s, 16)]
                    b00 = f00b[pl.ds(s, 16)]
                    a01 = f01a[pl.ds(s, 16)]
                    b01 = f01b[pl.ds(s, 16)]
                    a10 = f10a[pl.ds(s, 16)]
                    b10 = f10b[pl.ds(s, 16)]
                    a11 = f11a[pl.ds(s, 16)]
                    b11 = f11b[pl.ds(s, 16)]
                    rw = wx_v[pl.ds(s, 16)]
                    cw = wy_v[pl.ds(s, 16)]
                    nrw = 1.0 - rw
                    ncw = 1.0 - cw
                    w00 = ncw * nrw
                    w01 = cw * nrw
                    w10 = ncw * rw
                    w11 = cw * rw
                    o0 = a00 * w00 + a01 * w01 + a10 * w10 + a11 * w11
                    o1 = b00 * w00 + b01 * w01 + b10 * w10 + b11 * w11
                    pos = ((s + iota) << 5) + (2 * l)
                    plsc.store_scatter(out_v, [pos], o0)
                    plsc.store_scatter(out_v, [pos + 1], o1)
                    return carry

                lax.fori_loop(jnp.int32(0), jnp.int32(chunk // 16), interp_body,
                              jnp.int32(0))
                return carry1

            lax.fori_loop(jnp.int32(0), jnp.int32(N_LEVELS), level_body,
                          jnp.int32(0))
            pltpu.sync_copy(out_v, out.at[pl.ds(base * 32, chunk * 32)])
            return carry0

        lax.fori_loop(jnp.int32(0), jnp.int32(n_chunks), chunk_body,
                      jnp.int32(0))

    return ngp_kernel


def kernel(input_coords, tables):
    n = input_coords.shape[0]
    b = jnp.exp((jnp.log(jnp.float32(N_MAX_F)) - jnp.log(jnp.float32(N_MIN_F)))
                / (N_LEVELS - 1))
    res = jnp.stack([jnp.floor(jnp.float32(N_MIN_F) * b ** i)
                     for i in range(N_LEVELS)]).astype(jnp.int32)
    xs = input_coords[:, 0].astype(jnp.int32)
    ys = input_coords[:, 1].astype(jnp.int32)
    tab = tables.reshape(N_LEVELS * T * 2)
    chunk = 2048 if n % (NW * 2048) == 0 else 16
    fn = _make_kernel(n, chunk)
    return fn(tab, xs, ys, res).reshape(n, 32)

# --- scband reference (transcript-rebuilt; emitter-appended) ---
"""Pipeline reference for scband-hash-map-ngp-26130581029487 (READ-ONLY COPY).

The authoritative reference and input builder live on the scoring server;
editing this copy changes nothing except your own understanding.
"""

import jax, jax.numpy as jnp
import numpy as np

jax.config.update("jax_enable_x64", True)

N_LEVELS = 16
N_MIN = 16.0
PI_1 = 1
PI_2 = 2654435761
FEATURES_PER_COORD = 2
N_MAX = 512
HASH_EXP = 19
T = 2 ** HASH_EXP
NUM_COORDS = 262144
INIT_BOUNDS = 0.0001


def setup_inputs(seed: int = 0) -> dict:
    key = jax.random.key(seed)
    k1, k2 = jax.random.split(key)
    input_coords = jax.random.randint(k1, (NUM_COORDS, 2), 0, N_MAX, dtype=jnp.int64)
    # learned hash embedding tables, one per level, init uniform(-1e-4, 1e-4)
    tables = jax.random.uniform(
        k2, (N_LEVELS, T, FEATURES_PER_COORD),
        minval=-INIT_BOUNDS, maxval=INIT_BOUNDS, dtype=jnp.float32)
    return {"input_coords": input_coords, "tables": tables}


def reference(input_coords, tables):
    b = jnp.exp((jnp.log(jnp.float32(N_MAX)) - jnp.log(jnp.float32(N_MIN))) / (N_LEVELS - 1))
    rel_pos = jnp.array([[[0, 0], [0, 1], [1, 1], [1, 0]]], dtype=jnp.float32)
    coeffs = jnp.array([PI_1, PI_2], dtype=jnp.int64).reshape(1, 1, 2)
    outs = []
    for i in range(N_LEVELS):
        resolution = jnp.floor(jnp.float32(N_MIN) * b ** i)
        scaled = input_coords.astype(jnp.float32) / jnp.float32(N_MAX) * resolution
        # neighbor coords: add rel offsets then truncate to int32 (torch .type(torch.int32))
        neighbors = (scaled[:, None, :] + rel_pos).astype(jnp.int32)
        # spatial hash: xor(pi1*x, pi2*y) mod T
        hash_product = coeffs * neighbors.astype(jnp.int64)
        xor = jnp.bitwise_xor(hash_product[:, :, 0], hash_product[:, :, 1])
        hash_indices = xor % T  # [N, 4]
        hash_vals = jnp.take(tables[i], hash_indices, axis=0)  # [N, 4, 2]
        col_w = (scaled[:, 1] - jnp.floor(scaled[:, 1]))[:, None]
        row_w = (scaled[:, 0] - jnp.floor(scaled[:, 0]))[:, None]
        f_00 = hash_vals[:, 0] * (1 - col_w) * (1 - row_w)
        f_10 = hash_vals[:, 1] * col_w * (1 - row_w)
        f_01 = hash_vals[:, 3] * (1 - col_w) * row_w
        f_11 = hash_vals[:, 2] * col_w * row_w
        outs.append(f_00 + f_10 + f_01 + f_11)
    return jnp.concatenate(outs, axis=-1)  # [N, 32]

if __name__ == "__main__":
    import jax
    _d = setup_inputs()
    print(jax.jit(kernel)(*tuple(_d.values())))

</pallas_src>

<mosaic_0001>
#map = affine_map<(d0, d1) -> (0)>
module attributes {stable_mosaic.version = 14 : i64} {
  func.func @ngp_kernel(%arg0: i32, %arg1: i32, %arg2: memref<16777216xf32, #tpu.memory_space<hbm>>, %arg3: memref<262144xi32, #tpu.memory_space<hbm>>, %arg4: memref<262144xi32, #tpu.memory_space<hbm>>, %arg5: memref<16xi32, #tpu.memory_space<hbm>>, %arg6: memref<8388608xf32, #tpu.memory_space<hbm>>, %arg7: memref<2048xf32, #tpu.memory_space<vmem>>, %arg8: memref<2048xf32, #tpu.memory_space<vmem>>, %arg9: memref<2048xf32, #tpu.memory_space<vmem>>, %arg10: memref<2048xf32, #tpu.memory_space<vmem>>, %arg11: memref<2048xf32, #tpu.memory_space<vmem>>, %arg12: memref<2048xf32, #tpu.memory_space<vmem>>, %arg13: memref<2048xf32, #tpu.memory_space<vmem>>, %arg14: memref<2048xf32, #tpu.memory_space<vmem>>, %arg15: memref<2048xi32, #tpu.memory_space<vmem>>, %arg16: memref<2048xi32, #tpu.memory_space<vmem>>, %arg17: memref<2048xi32, #tpu.memory_space<vmem>>, %arg18: memref<2048xi32, #tpu.memory_space<vmem>>, %arg19: memref<2048xi32, #tpu.memory_space<vmem>>, %arg20: memref<2048xi32, #tpu.memory_space<vmem>>, %arg21: memref<2048xi32, #tpu.memory_space<vmem>>, %arg22: memref<2048xi32, #tpu.memory_space<vmem>>, %arg23: memref<65536xf32, #tpu.memory_space<vmem>>, %arg24: memref<16xi32, #tpu.memory_space<vmem>>, %arg25: memref<!tpu.dma_semaphore, #tpu.memory_space<semaphore_mem>>, %arg26: memref<2048xf32, #tpu.memory_space<vmem>>, %arg27: memref<2048xf32, #tpu.memory_space<vmem>>, %arg28: memref<2048xi32, #tpu.memory_space<vmem>>, %arg29: memref<2048xi32, #tpu.memory_space<vmem>>) attributes {dimension_semantics = [#tpu.dimension_semantics<core_parallel>, #tpu.dimension_semantics<subcore_parallel>], iteration_bounds = array<i64: 2, 16>, scalar_prefetch = 0 : i64, scratch_operands = 23 : i64, tpu.core_type = #tpu.core_type<sc_vector_subcore>, window_params = [{transform_indices = #map}, {transform_indices = #map}, {transform_indices = #map}, {transform_indices = #map}, {transform_indices = #map}]} {
    "tpu.region"() ({
      %run_scoped3A = tpu.sem_alloc : memref<!tpu.dma_semaphore, #tpu.memory_space<semaphore_mem>>
      tpu.enqueue_dma source(%arg5 : memref<16xi32, #tpu.memory_space<hbm>>) target(%arg24 : memref<16xi32, #tpu.memory_space<vmem>>) target_semaphore(%run_scoped3A : memref<!tpu.dma_semaphore, #tpu.memory_space<semaphore_mem>>)
      tpu.wait_dma2 semaphore(%run_scoped3A : memref<!tpu.dma_semaphore, #tpu.memory_space<semaphore_mem>>) src(%arg5 : memref<16xi32, #tpu.memory_space<hbm>>) dst(%arg24 : memref<16xi32, #tpu.memory_space<vmem>>)
      tpu.yield
    }) : () -> ()
    %mul3A = arith.constant 2 : i32
    %mul3A_0 = arith.muli %arg1, %mul3A : i32
    %add3A = arith.addi %mul3A_0, %arg0 : i32
    %iota3A = tpu.iota {dimensions = array<i32: 0>} : vector<16xi32>
    %while3A = arith.constant 0 : i32
    %while3A_1 = arith.constant 0 : i32
    %while3A_2 = arith.constant 4 : i32
    %while3A_3 = arith.subi %while3A_2, %while3A_1 : i32
    %while3A_4 = arith.addi %while3A_1, %while3A_3 : i32
    %while3A_5 = arith.constant 1 : i32
    %while3A_6 = arith.divsi %while3A_3, %while3A_5 : i32
    %while3A_7 = arith.muli %while3A_6, %while3A_5 : i32
    %while3A_8 = arith.addi %while3A_1, %while3A_7 : i32
    %while3A_9 = arith.constant 1 : i32
    scf.for %while3A_11 = %while3A_1 to %while3A_8 step %while3A_9  : i32 {
      %mul3A_12 = arith.constant 8192 : i32
      %mul3A_13 = arith.muli %add3A, %mul3A_12 : i32
      %mul3A_14 = arith.constant 2048 : i32
      %mul3A_15 = arith.muli %while3A_11, %mul3A_14 : i32
      %add3A_16 = arith.addi %mul3A_13, %mul3A_15 : i32
      %multiple_of3A = tpu.assume_multiple %add3A_16, 2048 : i32
      "tpu.region"() ({
        %run_scoped3A = tpu.sem_alloc : memref<!tpu.dma_semaphore, #tpu.memory_space<semaphore_mem>>
        %dma_start3A = tpu.memref_slice %arg3[%multiple_of3A] : memref<262144xi32, #tpu.memory_space<hbm>> -> memref<2048xi32, #tpu.memory_space<hbm>>
        %dma_start3A_30 = tpu.memref_slice %arg3[%multiple_of3A] : memref<262144xi32, #tpu.memory_space<hbm>> -> memref<2048xi32, #tpu.memory_space<hbm>>
        tpu.enqueue_dma source(%dma_start3A_30 : memref<2048xi32, #tpu.memory_space<hbm>>) target(%arg28 : memref<2048xi32, #tpu.memory_space<vmem>>) target_semaphore(%run_scoped3A : memref<!tpu.dma_semaphore, #tpu.memory_space<semaphore_mem>>)
        %dma_wait3A = tpu.memref_slice %arg3[%multiple_of3A] : memref<262144xi32, #tpu.memory_space<hbm>> -> memref<2048xi32, #tpu.memory_space<hbm>>
        %dma_wait3A_31 = tpu.memref_slice %arg3[%multiple_of3A] : memref<262144xi32, #tpu.memory_space<hbm>> -> memref<2048xi32, #tpu.memory_space<hbm>>
        tpu.wait_dma2 semaphore(%run_scoped3A : memref<!tpu.dma_semaphore, #tpu.memory_space<semaphore_mem>>) src(%dma_wait3A_31 : memref<2048xi32, #tpu.memory_space<hbm>>) dst(%arg28 : memref<2048xi32, #tpu.memory_space<vmem>>)
        tpu.yield
      }) : () -> ()
      "tpu.region"() ({
        %run_scoped3A = tpu.sem_alloc : memref<!tpu.dma_semaphore, #tpu.memory_space<semaphore_mem>>
        %dma_start3A = tpu.memref_slice %arg4[%multiple_of3A] : memref<262144xi32, #tpu.memory_space<hbm>> -> memref<2048xi32, #tpu.memory_space<hbm>>
        %dma_start3A_30 = tpu.memref_slice %arg4[%multiple_of3A] : memref<262144xi32, #tpu.memory_space<hbm>> -> memref<2048xi32, #tpu.memory_space<hbm>>
        tpu.enqueue_dma source(%dma_start3A_30 : memref<2048xi32, #tpu.memory_space<hbm>>) target(%arg29 : memref<2048xi32, #tpu.memory_space<vmem>>) target_semaphore(%run_scoped3A : memref<!tpu.dma_semaphore, #tpu.memory_space<semaphore_mem>>)
        %dma_wait3A = tpu.memref_slice %arg4[%multiple_of3A] : memref<262144xi32, #tpu.memory_space<hbm>> -> memref<2048xi32, #tpu.memory_space<hbm>>
        %dma_wait3A_31 = tpu.memref_slice %arg4[%multiple_of3A] : memref<262144xi32, #tpu.memory_space<hbm>> -> memref<2048xi32, #tpu.memory_space<hbm>>
        tpu.wait_dma2 semaphore(%run_scoped3A : memref<!tpu.dma_semaphore, #tpu.memory_space<semaphore_mem>>) src(%dma_wait3A_31 : memref<2048xi32, #tpu.memory_space<hbm>>) dst(%arg29 : memref<2048xi32, #tpu.memory_space<vmem>>)
        tpu.yield
      }) : () -> ()
      %while3A_17 = arith.constant 0 : i32
      %while3A_18 = arith.constant 0 : i32
      %while3A_19 = arith.constant 16 : i32
      %while3A_20 = arith.subi %while3A_19, %while3A_18 : i32
      %while3A_21 = arith.addi %while3A_18, %while3A_20 : i32
      %while3A_22 = arith.constant 1 : i32
      %while3A_23 = arith.divsi %while3A_20, %while3A_22 : i32
      %while3A_24 = arith.muli %while3A_23, %while3A_22 : i32
      %while3A_25 = arith.addi %while3A_18, %while3A_24 : i32
      %while3A_26 = arith.constant 1 : i32
      scf.for %while3A_30 = %while3A_18 to %while3A_25 step %while3A_26  : i32 {
        %broadcast_in_dim3A = vector.broadcast %while3A_30 : i32 to vector<16xi32>
        %gather3A = tpu.vector_load_idx %arg24[%broadcast_in_dim3A] : memref<16xi32, #tpu.memory_space<vmem>>[vector<16xi32>], vector<16xi32>,
        %mul3A_31 = arith.constant 1048576 : i32
        %mul3A_32 = arith.muli %while3A_30, %mul3A_31 : i32
        %while3A_33 = arith.constant 0 : i32
        %while3A_34 = arith.constant 0 : i32
        %while3A_35 = arith.constant 128 : i32
        %while3A_36 = arith.subi %while3A_35, %while3A_34 : i32
        %while3A_37 = arith.addi %while3A_34, %while3A_36 : i32
        %while3A_38 = arith.constant 1 : i32
        %while3A_39 = arith.divsi %while3A_36, %while3A_38 : i32
        %while3A_40 = arith.muli %while3A_39, %while3A_38 : i32
        %while3A_41 = arith.addi %while3A_34, %while3A_40 : i32
        %while3A_42 = arith.constant 1 : i32
        scf.for %while3A_85 = %while3A_34 to %while3A_41 step %while3A_42  : i32 {
          %mul3A_86 = arith.constant 16 : i32
          %mul3A_87 = arith.muli %while3A_85, %mul3A_86 : i32
          %get3A = arith.index_cast %mul3A_87 : i32 to index
          %get3A_88 = tpu.vector_load %arg28[%get3A] {strides = array<i32>} : memref<2048xi32, #tpu.memory_space<vmem>>, vector<16xi32>,
          %get3A_89 = arith.index_cast %mul3A_87 : i32 to index
          %get3A_90 = tpu.vector_load %arg29[%get3A_89] {strides = array<i32>} : memref<2048xi32, #tpu.memory_space<vmem>>, vector<16xi32>,
          %mul3A_91 = arith.muli %get3A_88, %gather3A : vector<16xi32>
          %mul3A_92 = arith.muli %get3A_90, %gather3A : vector<16xi32>
          %shift_right_arithmetic3A = arith.constant 9 : i32
          %shift_right_arithmetic3A_93 = vector.broadcast %shift_right_arithmetic3A : i32 to vector<16xi32>
          %shift_right_arithmetic3A_94 = arith.shrsi %mul3A_91, %shift_right_arithmetic3A_93 : vector<16xi32>
          %shift_right_arithmetic3A_95 = arith.constant 9 : i32
          %shift_right_arithmetic3A_96 = vector.broadcast %shift_right_arithmetic3A_95 : i32 to vector<16xi32>
          %shift_right_arithmetic3A_97 = arith.shrsi %mul3A_92, %shift_right_arithmetic3A_96 : vector<16xi32>
          %mul3A_98 = arith.constant -1640531535 : i32
          %mul3A_99 = vector.broadcast %mul3A_98 : i32 to vector<16xi32>
          %mul3A_100 = arith.muli %shift_right_arithmetic3A_97, %mul3A_99 : vector<16xi32>
          %add3A_101 = arith.constant -1640531535 : i32
          %add3A_102 = vector.broadcast %add3A_101 : i32 to vector<16xi32>
          %add3A_103 = arith.addi %mul3A_100, %add3A_102 : vector<16xi32>
          %add3A_104 = arith.constant 1 : i32
          %add3A_105 = vector.broadcast %add3A_104 : i32 to vector<16xi32>
          %add3A_106 = arith.addi %shift_right_arithmetic3A_94, %add3A_105 : vector<16xi32>
          %xor3A = arith.xori %shift_right_arithmetic3A_94, %mul3A_100 : vector<16xi32>
          %and3A = arith.constant 524287 : i32
          %and3A_107 = vector.broadcast %and3A : i32 to vector<16xi32>
          %and3A_108 = arith.andi %xor3A, %and3A_107 : vector<16xi32>
          %shift_left3A = arith.constant 1 : i32
          %shift_left3A_109 = vector.broadcast %shift_left3A : i32 to vector<16xi32>
          %shift_left3A_110 = arith.shli %and3A_108, %shift_left3A_109 : vector<16xi32>
          %add3A_111 = vector.broadcast %mul3A_32 : i32 to vector<16xi32>
          %add3A_112 = arith.addi %shift_left3A_110, %add3A_111 : vector<16xi32>
          %xor3A_113 = arith.xori %shift_right_arithmetic3A_94, %add3A_103 : vector<16xi32>
          %and3A_114 = arith.constant 524287 : i32
          %and3A_115 = vector.broadcast %and3A_114 : i32 to vector<16xi32>
          %and3A_116 = arith.andi %xor3A_113, %and3A_115 : vector<16xi32>
          %shift_left3A_117 = arith.constant 1 : i32
          %shift_left3A_118 = vector.broadcast %shift_left3A_117 : i32 to vector<16xi32>
          %shift_left3A_119 = arith.shli %and3A_116, %shift_left3A_118 : vector<16xi32>
          %add3A_120 = vector.broadcast %mul3A_32 : i32 to vector<16xi32>
          %add3A_121 = arith.addi %shift_left3A_119, %add3A_120 : vector<16xi32>
          %xor3A_122 = arith.xori %add3A_106, %mul3A_100 : vector<16xi32>
          %and3A_123 = arith.constant 524287 : i32
          %and3A_124 = vector.broadcast %and3A_123 : i32 to vector<16xi32>
          %and3A_125 = arith.andi %xor3A_122, %and3A_124 : vector<16xi32>
          %shift_left3A_126 = arith.constant 1 : i32
          %shift_left3A_127 = vector.broadcast %shift_left3A_126 : i32 to vector<16xi32>
          %shift_left3A_128 = arith.shli %and3A_125, %shift_left3A_127 : vector<16xi32>
          %add3A_129 = vector.broadcast %mul3A_32 : i32 to vector<16xi32>
          %add3A_130 = arith.addi %shift_left3A_128, %add3A_129 : vector<16xi32>
          %xor3A_131 = arith.xori %add3A_106, %add3A_103 : vector<16xi32>
          %and3A_132 = arith.constant 524287 : i32
          %and3A_133 = vector.broadcast %and3A_132 : i32 to vector<16xi32>
          %and3A_134 = arith.andi %xor3A_131, %and3A_133 : vector<16xi32>
          %shift_left3A_135 = arith.constant 1 : i32
          %shift_left3A_136 = vector.broadcast %shift_left3A_135 : i32 to vector<16xi32>
          %shift_left3A_137 = arith.shli %and3A_134, %shift_left3A_136 : vector<16xi32>
          %add3A_138 = vector.broadcast %mul3A_32 : i32 to vector<16xi32>
          %add3A_139 = arith.addi %shift_left3A_137, %add3A_138 : vector<16xi32>
          %swap3A = arith.index_cast %mul3A_87 : i32 to index
          %swap3A_140 = tpu.vector_load %arg15[%swap3A] {strides = array<i32>} : memref<2048xi32, #tpu.memory_space<vmem>>, vector<16xi32>,
          tpu.vector_store %arg15[%swap3A], %add3A_112 {strides = array<i32>} : memref<2048xi32, #tpu.memory_space<vmem>>, vector<16xi32>,
          %add3A_141 = arith.constant 1 : i32
          %add3A_142 = vector.broadcast %add3A_141 : i32 to vector<16xi32>
          %add3A_143 = arith.addi %add3A_112, %add3A_142 : vector<16xi32>
          %swap3A_144 = arith.index_cast %mul3A_87 : i32 to index
          %swap3A_145 = tpu.vector_load %arg16[%swap3A_144] {strides = array<i32>} : memref<2048xi32, #tpu.memory_space<vmem>>, vector<16xi32>,
          tpu.vector_store %arg16[%swap3A_144], %add3A_143 {strides = array<i32>} : memref<2048xi32, #tpu.memory_space<vmem>>, vector<16xi32>,
          %swap3A_146 = arith.index_cast %mul3A_87 : i32 to index
          %swap3A_147 = tpu.vector_load %arg17[%swap3A_146] {strides = array<i32>} : memref<2048xi32, #tpu.memory_space<vmem>>, vector<16xi32>,
          tpu.vector_store %arg17[%swap3A_146], %add3A_121 {strides = array<i32>} : memref<2048xi32, #tpu.memory_space<vmem>>, vector<16xi32>,
          %add3A_148 = arith.constant 1 : i32
          %add3A_149 = vector.broadcast %add3A_148 : i32 to vector<16xi32>
          %add3A_150 = arith.addi %add3A_121, %add3A_149 : vector<16xi32>
          %swap3A_151 = arith.index_cast %mul3A_87 : i32 to index
          %swap3A_152 = tpu.vector_load %arg18[%swap3A_151] {strides = array<i32>} : memref<2048xi32, #tpu.memory_space<vmem>>, vector<16xi32>,
          tpu.vector_store %arg18[%swap3A_151], %add3A_150 {strides = array<i32>} : memref<2048xi32, #tpu.memory_space<vmem>>, vector<16xi32>,
          %swap3A_153 = arith.index_cast %mul3A_87 : i32 to index
          %swap3A_154 = tpu.vector_load %arg19[%swap3A_153] {strides = array<i32>} : memref<2048xi32, #tpu.memory_space<vmem>>, vector<16xi32>,
          tpu.vector_store %arg19[%swap3A_153], %add3A_130 {strides = array<i32>} : memref<2048xi32, #tpu.memory_space<vmem>>, vector<16xi32>,
          %add3A_155 = arith.constant 1 : i32
          %add3A_156 = vector.broadcast %add3A_155 : i32 to vector<16xi32>
          %add3A_157 = arith.addi %add3A_130, %add3A_156 : vector<16xi32>
          %swap3A_158 = arith.index_cast %mul3A_87 : i32 to index
          %swap3A_159 = tpu.vector_load %arg20[%swap3A_158] {strides = array<i32>} : memref<2048xi32, #tpu.memory_space<vmem>>, vector<16xi32>,
          tpu.vector_store %arg20[%swap3A_158], %add3A_157 {strides = array<i32>} : memref<2048xi32, #tpu.memory_space<vmem>>, vector<16xi32>,
          %swap3A_160 = arith.index_cast %mul3A_87 : i32 to index
          %swap3A_161 = tpu.vector_load %arg21[%swap3A_160] {strides = array<i32>} : memref<2048xi32, #tpu.memory_space<vmem>>, vector<16xi32>,
          tpu.vector_store %arg21[%swap3A_160], %add3A_139 {strides = array<i32>} : memref<2048xi32, #tpu.memory_space<vmem>>, vector<16xi32>,
          %add3A_162 = arith.constant 1 : i32
          %add3A_163 = vector.broadcast %add3A_162 : i32 to vector<16xi32>
          %add3A_164 = arith.addi %add3A_139, %add3A_163 : vector<16xi32>
          %swap3A_165 = arith.index_cast %mul3A_87 : i32 to index
          %swap3A_166 = tpu.vector_load %arg22[%swap3A_165] {strides = array<i32>} : memref<2048xi32, #tpu.memory_space<vmem>>, vector<16xi32>,
          tpu.vector_store %arg22[%swap3A_165], %add3A_164 {strides = array<i32>} : memref<2048xi32, #tpu.memory_space<vmem>>, vector<16xi32>,
          %and3A_167 = arith.constant 511 : i32
          %and3A_168 = vector.broadcast %and3A_167 : i32 to vector<16xi32>
          %and3A_169 = arith.andi %mul3A_91, %and3A_168 : vector<16xi32>
          %convert_element_type3A = arith.sitofp %and3A_169 : vector<16xi32> to vector<16xf32>
          %mul3A_170 = arith.constant 0.001953125 : f32
          %mul3A_171 = vector.broadcast %mul3A_170 : f32 to vector<16xf32>
          %mul3A_172 = arith.mulf %convert_element_type3A, %mul3A_171 : vector<16xf32>
          %swap3A_173 = arith.index_cast %mul3A_87 : i32 to index
          %swap3A_174 = tpu.vector_load %arg26[%swap3A_173] {strides = array<i32>} : memref<2048xf32, #tpu.memory_space<vmem>>, vector<16xf32>,
          tpu.vector_store %arg26[%swap3A_173], %mul3A_172 {strides = array<i32>} : memref<2048xf32, #tpu.memory_space<vmem>>, vector<16xf32>,
          %and3A_175 = arith.constant 511 : i32
          %and3A_176 = vector.broadcast %and3A_175 : i32 to vector<16xi32>
          %and3A_177 = arith.andi %mul3A_92, %and3A_176 : vector<16xi32>
          %convert_element_type3A_178 = arith.sitofp %and3A_177 : vector<16xi32> to vector<16xf32>
          %mul3A_179 = arith.constant 0.001953125 : f32
          %mul3A_180 = vector.broadcast %mul3A_179 : f32 to vector<16xf32>
          %mul3A_181 = arith.mulf %convert_element_type3A_178, %mul3A_180 : vector<16xf32>
          %swap3A_182 = arith.index_cast %mul3A_87 : i32 to index
          %swap3A_183 = tpu.vector_load %arg27[%swap3A_182] {strides = array<i32>} : memref<2048xf32, #tpu.memory_space<vmem>>, vector<16xf32>,
          tpu.vector_store %arg27[%swap3A_182], %mul3A_181 {strides = array<i32>} : memref<2048xf32, #tpu.memory_space<vmem>>, vector<16xf32>,
        }
        %while3A_43 = arith.constant 1 : i32
        scf.for %while3A_85 = %while3A_41 to %while3A_37 step %while3A_43  : i32 {
          %mul3A_86 = arith.constant 16 : i32
          %mul3A_87 = arith.muli %while3A_85, %mul3A_86 : i32
          %get3A = arith.index_cast %mul3A_87 : i32 to index
          %get3A_88 = tpu.vector_load %arg28[%get3A] {strides = array<i32>} : memref<2048xi32, #tpu.memory_space<vmem>>, vector<16xi32>,
          %get3A_89 = arith.index_cast %mul3A_87 : i32 to index
          %get3A_90 = tpu.vector_load %arg29[%get3A_89] {strides = array<i32>} : memref<2048xi32, #tpu.memory_space<vmem>>, vector<16xi32>,
          %mul3A_91 = arith.muli %get3A_88, %gather3A : vector<16xi32>
          %mul3A_92 = arith.muli %get3A_90, %gather3A : vector<16xi32>
          %shift_right_arithmetic3A = arith.constant 9 : i32
          %shift_right_arithmetic3A_93 = vector.broadcast %shift_right_arithmetic3A : i32 to vector<16xi32>
          %shift_right_arithmetic3A_94 = arith.shrsi %mul3A_91, %shift_right_arithmetic3A_93 : vector<16xi32>
          %shift_right_arithmetic3A_95 = arith.constant 9 : i32
          %shift_right_arithmetic3A_96 = vector.broadcast %shift_right_arithmetic3A_95 : i32 to vector<16xi32>
          %shift_right_arithmetic3A_97 = arith.shrsi %mul3A_92, %shift_right_arithmetic3A_96 : vector<16xi32>
          %mul3A_98 = arith.constant -1640531535 : i32
          %mul3A_99 = vector.broadcast %mul3A_98 : i32 to vector<16xi32>
          %mul3A_100 = arith.muli %shift_right_arithmetic3A_97, %mul3A_99 : vector<16xi32>
          %add3A_101 = arith.constant -1640531535 : i32
          %add3A_102 = vector.broadcast %add3A_101 : i32 to vector<16xi32>
          %add3A_103 = arith.addi %mul3A_100, %add3A_102 : vector<16xi32>
          %add3A_104 = arith.constant 1 : i32
          %add3A_105 = vector.broadcast %add3A_104 : i32 to vector<16xi32>
          %add3A_106 = arith.addi %shift_right_arithmetic3A_94, %add3A_105 : vector<16xi32>
          %xor3A = arith.xori %shift_right_arithmetic3A_94, %mul3A_100 : vector<16xi32>
          %and3A = arith.constant 524287 : i32
          %and3A_107 = vector.broadcast %and3A : i32 to vector<16xi32>
          %and3A_108 = arith.andi %xor3A, %and3A_107 : vector<16xi32>
          %shift_left3A = arith.constant 1 : i32
          %shift_left3A_109 = vector.broadcast %shift_left3A : i32 to vector<16xi32>
          %shift_left3A_110 = arith.shli %and3A_108, %shift_left3A_109 : vector<16xi32>
          %add3A_111 = vector.broadcast %mul3A_32 : i32 to vector<16xi32>
          %add3A_112 = arith.addi %shift_left3A_110, %add3A_111 : vector<16xi32>
          %xor3A_113 = arith.xori %shift_right_arithmetic3A_94, %add3A_103 : vector<16xi32>
          %and3A_114 = arith.constant 524287 : i32
          %and3A_115 = vector.broadcast %and3A_114 : i32 to vector<16xi32>
          %and3A_116 = arith.andi %xor3A_113, %and3A_115 : vector<16xi32>
          %shift_left3A_117 = arith.constant 1 : i32
          %shift_left3A_118 = vector.broadcast %shift_left3A_117 : i32 to vector<16xi32>
          %shift_left3A_119 = arith.shli %and3A_116, %shift_left3A_118 : vector<16xi32>
          %add3A_120 = vector.broadcast %mul3A_32 : i32 to vector<16xi32>
          %add3A_121 = arith.addi %shift_left3A_119, %add3A_120 : vector<16xi32>
          %xor3A_122 = arith.xori %add3A_106, %mul3A_100 : vector<16xi32>
          %and3A_123 = arith.constant 524287 : i32
          %and3A_124 = vector.broadcast %and3A_123 : i32 to vector<16xi32>
          %and3A_125 = arith.andi %xor3A_122, %and3A_124 : vector<16xi32>
          %shift_left3A_126 = arith.constant 1 : i32
          %shift_left3A_127 = vector.broadcast %shift_left3A_126 : i32 to vector<16xi32>
          %shift_left3A_128 = arith.shli %and3A_125, %shift_left3A_127 : vector<16xi32>
          %add3A_129 = vector.broadcast %mul3A_32 : i32 to vector<16xi32>
          %add3A_130 = arith.addi %shift_left3A_128, %add3A_129 : vector<16xi32>
          %xor3A_131 = arith.xori %add3A_106, %add3A_103 : vector<16xi32>
          %and3A_132 = arith.constant 524287 : i32
          %and3A_133 = vector.broadcast %and3A_132 : i32 to vector<16xi32>
          %and3A_134 = arith.andi %xor3A_131, %and3A_133 : vector<16xi32>
          %shift_left3A_135 = arith.constant 1 : i32
          %shift_left3A_136 = vector.broadcast %shift_left3A_135 : i32 to vector<16xi32>
          %shift_left3A_137 = arith.shli %and3A_134, %shift_left3A_136 : vector<16xi32>
          %add3A_138 = vector.broadcast %mul3A_32 : i32 to vector<16xi32>
          %add3A_139 = arith.addi %shift_left3A_137, %add3A_138 : vector<16xi32>
          %swap3A = arith.index_cast %mul3A_87 : i32 to index
          %swap3A_140 = tpu.vector_load %arg15[%swap3A] {strides = array<i32>} : memref<2048xi32, #tpu.memory_space<vmem>>, vector<16xi32>,
          tpu.vector_store %arg15[%swap3A], %add3A_112 {strides = array<i32>} : memref<2048xi32, #tpu.memory_space<vmem>>, vector<16xi32>,
          %add3A_141 = arith.constant 1 : i32
          %add3A_142 = vector.broadcast %add3A_141 : i32 to vector<16xi32>
          %add3A_143 = arith.addi %add3A_112, %add3A_142 : vector<16xi32>
          %swap3A_144 = arith.index_cast %mul3A_87 : i32 to index
          %swap3A_145 = tpu.vector_load %arg16[%swap3A_144] {strides = array<i32>} : memref<2048xi32, #tpu.memory_space<vmem>>, vector<16xi32>,
          tpu.vector_store %arg16[%swap3A_144], %add3A_143 {strides = array<i32>} : memref<2048xi32, #tpu.memory_space<vmem>>, vector<16xi32>,
          %swap3A_146 = arith.index_cast %mul3A_87 : i32 to index
          %swap3A_147 = tpu.vector_load %arg17[%swap3A_146] {strides = array<i32>} : memref<2048xi32, #tpu.memory_space<vmem>>, vector<16xi32>,
          tpu.vector_store %arg17[%swap3A_146], %add3A_121 {strides = array<i32>} : memref<2048xi32, #tpu.memory_space<vmem>>, vector<16xi32>,
          %add3A_148 = arith.constant 1 : i32
          %add3A_149 = vector.broadcast %add3A_148 : i32 to vector<16xi32>
          %add3A_150 = arith.addi %add3A_121, %add3A_149 : vector<16xi32>
          %swap3A_151 = arith.index_cast %mul3A_87 : i32 to index
          %swap3A_152 = tpu.vector_load %arg18[%swap3A_151] {strides = array<i32>} : memref<2048xi32, #tpu.memory_space<vmem>>, vector<16xi32>,
          tpu.vector_store %arg18[%swap3A_151], %add3A_150 {strides = array<i32>} : memref<2048xi32, #tpu.memory_space<vmem>>, vector<16xi32>,
          %swap3A_153 = arith.index_cast %mul3A_87 : i32 to index
          %swap3A_154 = tpu.vector_load %arg19[%swap3A_153] {strides = array<i32>} : memref<2048xi32, #tpu.memory_space<vmem>>, vector<16xi32>,
          tpu.vector_store %arg19[%swap3A_153], %add3A_130 {strides = array<i32>} : memref<2048xi32, #tpu.memory_space<vmem>>, vector<16xi32>,
          %add3A_155 = arith.constant 1 : i32
          %add3A_156 = vector.broadcast %add3A_155 : i32 to vector<16xi32>
          %add3A_157 = arith.addi %add3A_130, %add3A_156 : vector<16xi32>
          %swap3A_158 = arith.index_cast %mul3A_87 : i32 to index
          %swap3A_159 = tpu.vector_load %arg20[%swap3A_158] {strides = array<i32>} : memref<2048xi32, #tpu.memory_space<vmem>>, vector<16xi32>,
          tpu.vector_store %arg20[%swap3A_158], %add3A_157 {strides = array<i32>} : memref<2048xi32, #tpu.memory_space<vmem>>, vector<16xi32>,
          %swap3A_160 = arith.index_cast %mul3A_87 : i32 to index
          %swap3A_161 = tpu.vector_load %arg21[%swap3A_160] {strides = array<i32>} : memref<2048xi32, #tpu.memory_space<vmem>>, vector<16xi32>,
          tpu.vector_store %arg21[%swap3A_160], %add3A_139 {strides = array<i32>} : memref<2048xi32, #tpu.memory_space<vmem>>, vector<16xi32>,
          %add3A_162 = arith.constant 1 : i32
          %add3A_163 = vector.broadcast %add3A_162 : i32 to vector<16xi32>
          %add3A_164 = arith.addi %add3A_139, %add3A_163 : vector<16xi32>
          %swap3A_165 = arith.index_cast %mul3A_87 : i32 to index
          %swap3A_166 = tpu.vector_load %arg22[%swap3A_165] {strides = array<i32>} : memref<2048xi32, #tpu.memory_space<vmem>>, vector<16xi32>,
          tpu.vector_store %arg22[%swap3A_165], %add3A_164 {strides = array<i32>} : memref<2048xi32, #tpu.memory_space<vmem>>, vector<16xi32>,
          %and3A_167 = arith.constant 511 : i32
          %and3A_168 = vector.broadcast %and3A_167 : i32 to vector<16xi32>
          %and3A_169 = arith.andi %mul3A_91, %and3A_168 : vector<16xi32>
          %convert_element_type3A = arith.sitofp %and3A_169 : vector<16xi32> to vector<16xf32>
          %mul3A_170 = arith.constant 0.001953125 : f32
          %mul3A_171 = vector.broadcast %mul3A_170 : f32 to vector<16xf32>
          %mul3A_172 = arith.mulf %convert_element_type3A, %mul3A_171 : vector<16xf32>
          %swap3A_173 = arith.index_cast %mul3A_87 : i32 to index
          %swap3A_174 = tpu.vector_load %arg26[%swap3A_173] {strides = array<i32>} : memref<2048xf32, #tpu.memory_space<vmem>>, vector<16xf32>,
          tpu.vector_store %arg26[%swap3A_173], %mul3A_172 {strides = array<i32>} : memref<2048xf32, #tpu.memory_space<vmem>>, vector<16xf32>,
          %and3A_175 = arith.constant 511 : i32
          %and3A_176 = vector.broadcast %and3A_175 : i32 to vector<16xi32>
          %and3A_177 = arith.andi %mul3A_92, %and3A_176 : vector<16xi32>
          %convert_element_type3A_178 = arith.sitofp %and3A_177 : vector<16xi32> to vector<16xf32>
          %mul3A_179 = arith.constant 0.001953125 : f32
          %mul3A_180 = vector.broadcast %mul3A_179 : f32 to vector<16xf32>
          %mul3A_181 = arith.mulf %convert_element_type3A_178, %mul3A_180 : vector<16xf32>
          %swap3A_182 = arith.index_cast %mul3A_87 : i32 to index
          %swap3A_183 = tpu.vector_load %arg27[%swap3A_182] {strides = array<i32>} : memref<2048xf32, #tpu.memory_space<vmem>>, vector<16xf32>,
          tpu.vector_store %arg27[%swap3A_182], %mul3A_181 {strides = array<i32>} : memref<2048xf32, #tpu.memory_space<vmem>>, vector<16xf32>,
        }
        %dma_start3A = arith.constant 0 : i32
        %dma_start3A_44 = tpu.memref_slice %arg2[%dma_start3A] : memref<16777216xf32, #tpu.memory_space<hbm>> -> memref<16777216xf32, #tpu.memory_space<hbm>>
        tpu.enqueue_indirect_dma source(%dma_start3A_44 : memref<16777216xf32, #tpu.memory_space<hbm>>) target(%arg7 : memref<2048xf32, #tpu.memory_space<vmem>>) offsets(%arg15 : memref<2048xi32, #tpu.memory_space<vmem>>) semaphore(%arg25 : memref<!tpu.dma_semaphore, #tpu.memory_space<semaphore_mem>>)
        %dma_start3A_45 = arith.constant 0 : i32
        %dma_start3A_46 = tpu.memref_slice %arg2[%dma_start3A_45] : memref<16777216xf32, #tpu.memory_space<hbm>> -> memref<16777216xf32, #tpu.memory_space<hbm>>
        tpu.enqueue_indirect_dma source(%dma_start3A_46 : memref<16777216xf32, #tpu.memory_space<hbm>>) target(%arg8 : memref<2048xf32, #tpu.memory_space<vmem>>) offsets(%arg16 : memref<2048xi32, #tpu.memory_space<vmem>>) semaphore(%arg25 : memref<!tpu.dma_semaphore, #tpu.memory_space<semaphore_mem>>)
        %dma_start3A_47 = arith.constant 0 : i32
        %dma_start3A_48 = tpu.memref_slice %arg2[%dma_start3A_47] : memref<16777216xf32, #tpu.memory_space<hbm>> -> memref<16777216xf32, #tpu.memory_space<hbm>>
        tpu.enqueue_indirect_dma source(%dma_start3A_48 : memref<16777216xf32, #tpu.memory_space<hbm>>) target(%arg9 : memref<2048xf32, #tpu.memory_space<vmem>>) offsets(%arg17 : memref<2048xi32, #tpu.memory_space<vmem>>) semaphore(%arg25 : memref<!tpu.dma_semaphore, #tpu.memory_space<semaphore_mem>>)
        %dma_start3A_49 = arith.constant 0 : i32
        %dma_start3A_50 = tpu.memref_slice %arg2[%dma_start3A_49] : memref<16777216xf32, #tpu.memory_space<hbm>> -> memref<16777216xf32, #tpu.memory_space<hbm>>
        tpu.enqueue_indirect_dma source(%dma_start3A_50 : memref<16777216xf32, #tpu.memory_space<hbm>>) target(%arg10 : memref<2048xf32, #tpu.memory_space<vmem>>) offsets(%arg18 : memref<2048xi32, #tpu.memory_space<vmem>>) semaphore(%arg25 : memref<!tpu.dma_semaphore, #tpu.memory_space<semaphore_mem>>)
        %dma_start3A_51 = arith.constant 0 : i32
        %dma_start3A_52 = tpu.memref_slice %arg2[%dma_start3A_51] : memref<16777216xf32, #tpu.memory_space<hbm>> -> memref<16777216xf32, #tpu.memory_space<hbm>>
        tpu.enqueue_indirect_dma source(%dma_start3A_52 : memref<16777216xf32, #tpu.memory_space<hbm>>) target(%arg11 : memref<2048xf32, #tpu.memory_space<vmem>>) offsets(%arg19 : memref<2048xi32, #tpu.memory_space<vmem>>) semaphore(%arg25 : memref<!tpu.dma_semaphore, #tpu.memory_space<semaphore_mem>>)
        %dma_start3A_53 = arith.constant 0 : i32
        %dma_start3A_54 = tpu.memref_slice %arg2[%dma_start3A_53] : memref<16777216xf32, #tpu.memory_space<hbm>> -> memref<16777216xf32, #tpu.memory_space<hbm>>
        tpu.enqueue_indirect_dma source(%dma_start3A_54 : memref<16777216xf32, #tpu.memory_space<hbm>>) target(%arg12 : memref<2048xf32, #tpu.memory_space<vmem>>) offsets(%arg20 : memref<2048xi32, #tpu.memory_space<vmem>>) semaphore(%arg25 : memref<!tpu.dma_semaphore, #tpu.memory_space<semaphore_mem>>)
        %dma_start3A_55 = arith.constant 0 : i32
        %dma_start3A_56 = tpu.memref_slice %arg2[%dma_start3A_55] : memref<16777216xf32, #tpu.memory_space<hbm>> -> memref<16777216xf32, #tpu.memory_space<hbm>>
        tpu.enqueue_indirect_dma source(%dma_start3A_56 : memref<16777216xf32, #tpu.memory_space<hbm>>) target(%arg13 : memref<2048xf32, #tpu.memory_space<vmem>>) offsets(%arg21 : memref<2048xi32, #tpu.memory_space<vmem>>) semaphore(%arg25 : memref<!tpu.dma_semaphore, #tpu.memory_space<semaphore_mem>>)
        %dma_start3A_57 = arith.constant 0 : i32
        %dma_start3A_58 = tpu.memref_slice %arg2[%dma_start3A_57] : memref<16777216xf32, #tpu.memory_space<hbm>> -> memref<16777216xf32, #tpu.memory_space<hbm>>
        tpu.enqueue_indirect_dma source(%dma_start3A_58 : memref<16777216xf32, #tpu.memory_space<hbm>>) target(%arg14 : memref<2048xf32, #tpu.memory_space<vmem>>) offsets(%arg22 : memref<2048xi32, #tpu.memory_space<vmem>>) semaphore(%arg25 : memref<!tpu.dma_semaphore, #tpu.memory_space<semaphore_mem>>)
        %dma_wait3A = arith.constant 0 : i32
        %dma_wait3A_59 = tpu.memref_slice %arg2[%dma_wait3A] : memref<16777216xf32, #tpu.memory_space<hbm>> -> memref<16777216xf32, #tpu.memory_space<hbm>>
        tpu.wait_indirect_dma semaphore(%arg25 : memref<!tpu.dma_semaphore, #tpu.memory_space<semaphore_mem>>) src(%dma_wait3A_59 : memref<16777216xf32, #tpu.memory_space<hbm>>) dst(%arg7 : memref<2048xf32, #tpu.memory_space<vmem>>)
        %dma_wait3A_60 = arith.constant 0 : i32
        %dma_wait3A_61 = tpu.memref_slice %arg2[%dma_wait3A_60] : memref<16777216xf32, #tpu.memory_space<hbm>> -> memref<16777216xf32, #tpu.memory_space<hbm>>
        tpu.wait_indirect_dma semaphore(%arg25 : memref<!tpu.dma_semaphore, #tpu.memory_space<semaphore_mem>>) src(%dma_wait3A_61 : memref<16777216xf32, #tpu.memory_space<hbm>>) dst(%arg8 : memref<2048xf32, #tpu.memory_space<vmem>>)
        %dma_wait3A_62 = arith.constant 0 : i32
        %dma_wait3A_63 = tpu.memref_slice %arg2[%dma_wait3A_62] : memref<16777216xf32, #tpu.memory_space<hbm>> -> memref<16777216xf32, #tpu.memory_space<hbm>>
        tpu.wait_indirect_dma semaphore(%arg25 : memref<!tpu.dma_semaphore, #tpu.memory_space<semaphore_mem>>) src(%dma_wait3A_63 : memref<16777216xf32, #tpu.memory_space<hbm>>) dst(%arg9 : memref<2048xf32, #tpu.memory_space<vmem>>)
        %dma_wait3A_64 = arith.constant 0 : i32
        %dma_wait3A_65 = tpu.memref_slice %arg2[%dma_wait3A_64] : memref<16777216xf32, #tpu.memory_space<hbm>> -> memref<16777216xf32, #tpu.memory_space<hbm>>
        tpu.wait_indirect_dma semaphore(%arg25 : memref<!tpu.dma_semaphore, #tpu.memory_space<semaphore_mem>>) src(%dma_wait3A_65 : memref<16777216xf32, #tpu.memory_space<hbm>>) dst(%arg10 : memref<2048xf32, #tpu.memory_space<vmem>>)
        %dma_wait3A_66 = arith.constant 0 : i32
        %dma_wait3A_67 = tpu.memref_slice %arg2[%dma_wait3A_66] : memref<16777216xf32, #tpu.memory_space<hbm>> -> memref<16777216xf32, #tpu.memory_space<hbm>>
        tpu.wait_indirect_dma semaphore(%arg25 : memref<!tpu.dma_semaphore, #tpu.memory_space<semaphore_mem>>) src(%dma_wait3A_67 : memref<16777216xf32, #tpu.memory_space<hbm>>) dst(%arg11 : memref<2048xf32, #tpu.memory_space<vmem>>)
        %dma_wait3A_68 = arith.constant 0 : i32
        %dma_wait3A_69 = tpu.memref_slice %arg2[%dma_wait3A_68] : memref<16777216xf32, #tpu.memory_space<hbm>> -> memref<16777216xf32, #tpu.memory_space<hbm>>
        tpu.wait_indirect_dma semaphore(%arg25 : memref<!tpu.dma_semaphore, #tpu.memory_space<semaphore_mem>>) src(%dma_wait3A_69 : memref<16777216xf32, #tpu.memory_space<hbm>>) dst(%arg12 : memref<2048xf32, #tpu.memory_space<vmem>>)
        %dma_wait3A_70 = arith.constant 0 : i32
        %dma_wait3A_71 = tpu.memref_slice %arg2[%dma_wait3A_70] : memref<16777216xf32, #tpu.memory_space<hbm>> -> memref<16777216xf32, #tpu.memory_space<hbm>>
        tpu.wait_indirect_dma semaphore(%arg25 : memref<!tpu.dma_semaphore, #tpu.memory_space<semaphore_mem>>) src(%dma_wait3A_71 : memref<16777216xf32, #tpu.memory_space<hbm>>) dst(%arg13 : memref<2048xf32, #tpu.memory_space<vmem>>)
        %dma_wait3A_72 = arith.constant 0 : i32
        %dma_wait3A_73 = tpu.memref_slice %arg2[%dma_wait3A_72] : memref<16777216xf32, #tpu.memory_space<hbm>> -> memref<16777216xf32, #tpu.memory_space<hbm>>
        tpu.wait_indirect_dma semaphore(%arg25 : memref<!tpu.dma_semaphore, #tpu.memory_space<semaphore_mem>>) src(%dma_wait3A_73 : memref<16777216xf32, #tpu.memory_space<hbm>>) dst(%arg14 : memref<2048xf32, #tpu.memory_space<vmem>>)
        %while3A_74 = arith.constant 0 : i32
        %while3A_75 = arith.constant 0 : i32
        %while3A_76 = arith.constant 128 : i32
        %while3A_77 = arith.subi %while3A_76, %while3A_75 : i32
        %while3A_78 = arith.addi %while3A_75, %while3A_77 : i32
        %while3A_79 = arith.constant 1 : i32
        %while3A_80 = arith.divsi %while3A_77, %while3A_79 : i32
        %while3A_81 = arith.muli %while3A_80, %while3A_79 : i32
        %while3A_82 = arith.addi %while3A_75, %while3A_81 : i32
        %while3A_83 = arith.constant 1 : i32
        scf.for %while3A_85 = %while3A_75 to %while3A_82 step %while3A_83  : i32 {
          %mul3A_86 = arith.constant 16 : i32
          %mul3A_87 = arith.muli %while3A_85, %mul3A_86 : i32
          %get3A = arith.index_cast %mul3A_87 : i32 to index
          %get3A_88 = tpu.vector_load %arg7[%get3A] {strides = array<i32>} : memref<2048xf32, #tpu.memory_space<vmem>>, vector<16xf32>,
          %get3A_89 = arith.index_cast %mul3A_87 : i32 to index
          %get3A_90 = tpu.vector_load %arg8[%get3A_89] {strides = array<i32>} : memref<2048xf32, #tpu.memory_space<vmem>>, vector<16xf32>,
          %get3A_91 = arith.index_cast %mul3A_87 : i32 to index
          %get3A_92 = tpu.vector_load %arg9[%get3A_91] {strides = array<i32>} : memref<2048xf32, #tpu.memory_space<vmem>>, vector<16xf32>,
          %get3A_93 = arith.index_cast %mul3A_87 : i32 to index
          %get3A_94 = tpu.vector_load %arg10[%get3A_93] {strides = array<i32>} : memref<2048xf32, #tpu.memory_space<vmem>>, vector<16xf32>,
          %get3A_95 = arith.index_cast %mul3A_87 : i32 to index
          %get3A_96 = tpu.vector_load %arg11[%get3A_95] {strides = array<i32>} : memref<2048xf32, #tpu.memory_space<vmem>>, vector<16xf32>,
          %get3A_97 = arith.index_cast %mul3A_87 : i32 to index
          %get3A_98 = tpu.vector_load %arg12[%get3A_97] {strides = array<i32>} : memref<2048xf32, #tpu.memory_space<vmem>>, vector<16xf32>,
          %get3A_99 = arith.index_cast %mul3A_87 : i32 to index
          %get3A_100 = tpu.vector_load %arg13[%get3A_99] {strides = array<i32>} : memref<2048xf32, #tpu.memory_space<vmem>>, vector<16xf32>,
          %get3A_101 = arith.index_cast %mul3A_87 : i32 to index
          %get3A_102 = tpu.vector_load %arg14[%get3A_101] {strides = array<i32>} : memref<2048xf32, #tpu.memory_space<vmem>>, vector<16xf32>,
          %get3A_103 = arith.index_cast %mul3A_87 : i32 to index
          %get3A_104 = tpu.vector_load %arg26[%get3A_103] {strides = array<i32>} : memref<2048xf32, #tpu.memory_space<vmem>>, vector<16xf32>,
          %get3A_105 = arith.index_cast %mul3A_87 : i32 to index
          %get3A_106 = tpu.vector_load %arg27[%get3A_105] {strides = array<i32>} : memref<2048xf32, #tpu.memory_space<vmem>>, vector<16xf32>,
          %sub3A = arith.constant 1.000000e+00 : f32
          %sub3A_107 = vector.broadcast %sub3A : f32 to vector<16xf32>
          %sub3A_108 = arith.subf %sub3A_107, %get3A_104 : vector<16xf32>
          %sub3A_109 = arith.constant 1.000000e+00 : f32
          %sub3A_110 = vector.broadcast %sub3A_109 : f32 to vector<16xf32>
          %sub3A_111 = arith.subf %sub3A_110, %get3A_106 : vector<16xf32>
          %mul3A_112 = arith.mulf %sub3A_111, %sub3A_108 : vector<16xf32>
          %mul3A_113 = arith.mulf %get3A_106, %sub3A_108 : vector<16xf32>
          %mul3A_114 = arith.mulf %sub3A_111, %get3A_104 : vector<16xf32>
          %mul3A_115 = arith.mulf %get3A_106, %get3A_104 : vector<16xf32>
          %mul3A_116 = arith.mulf %get3A_88, %mul3A_112 : vector<16xf32>
          %mul3A_117 = arith.mulf %get3A_92, %mul3A_113 : vector<16xf32>
          %add3A_118 = arith.addf %mul3A_116, %mul3A_117 : vector<16xf32>
          %mul3A_119 = arith.mulf %get3A_96, %mul3A_114 : vector<16xf32>
          %add3A_120 = arith.addf %add3A_118, %mul3A_119 : vector<16xf32>
          %mul3A_121 = arith.mulf %get3A_100, %mul3A_115 : vector<16xf32>
          %add3A_122 = arith.addf %add3A_120, %mul3A_121 : vector<16xf32>
          %mul3A_123 = arith.mulf %get3A_90, %mul3A_112 : vector<16xf32>
          %mul3A_124 = arith.mulf %get3A_94, %mul3A_113 : vector<16xf32>
          %add3A_125 = arith.addf %mul3A_123, %mul3A_124 : vector<16xf32>
          %mul3A_126 = arith.mulf %get3A_98, %mul3A_114 : vector<16xf32>
          %add3A_127 = arith.addf %add3A_125, %mul3A_126 : vector<16xf32>
          %mul3A_128 = arith.mulf %get3A_102, %mul3A_115 : vector<16xf32>
          %add3A_129 = arith.addf %add3A_127, %mul3A_128 : vector<16xf32>
          %add3A_130 = vector.broadcast %mul3A_87 : i32 to vector<16xi32>
          %add3A_131 = arith.addi %add3A_130, %iota3A : vector<16xi32>
          %shift_left3A = arith.constant 5 : i32
          %shift_left3A_132 = vector.broadcast %shift_left3A : i32 to vector<16xi32>
          %shift_left3A_133 = arith.shli %add3A_131, %shift_left3A_132 : vector<16xi32>
          %mul3A_134 = arith.constant 2 : i32
          %mul3A_135 = arith.muli %mul3A_134, %while3A_30 : i32
          %add3A_136 = vector.broadcast %mul3A_135 : i32 to vector<16xi32>
          %add3A_137 = arith.addi %shift_left3A_133, %add3A_136 : vector<16xi32>
          tpu.vector_store_idx %arg23[%add3A_137], %add3A_122 : memref<65536xf32, #tpu.memory_space<vmem>>[vector<16xi32>], vector<16xf32>,
          %add3A_138 = arith.constant 1 : i32
          %add3A_139 = vector.broadcast %add3A_138 : i32 to vector<16xi32>
          %add3A_140 = arith.addi %add3A_137, %add3A_139 : vector<16xi32>
          tpu.vector_store_idx %arg23[%add3A_140], %add3A_129 : memref<65536xf32, #tpu.memory_space<vmem>>[vector<16xi32>], vector<16xf32>,
        }
        %while3A_84 = arith.constant 1 : i32
        scf.for %while3A_85 = %while3A_82 to %while3A_78 step %while3A_84  : i32 {
          %mul3A_86 = arith.constant 16 : i32
          %mul3A_87 = arith.muli %while3A_85, %mul3A_86 : i32
          %get3A = arith.index_cast %mul3A_87 : i32 to index
          %get3A_88 = tpu.vector_load %arg7[%get3A] {strides = array<i32>} : memref<2048xf32, #tpu.memory_space<vmem>>, vector<16xf32>,
          %get3A_89 = arith.index_cast %mul3A_87 : i32 to index
          %get3A_90 = tpu.vector_load %arg8[%get3A_89] {strides = array<i32>} : memref<2048xf32, #tpu.memory_space<vmem>>, vector<16xf32>,
          %get3A_91 = arith.index_cast %mul3A_87 : i32 to index
          %get3A_92 = tpu.vector_load %arg9[%get3A_91] {strides = array<i32>} : memref<2048xf32, #tpu.memory_space<vmem>>, vector<16xf32>,
          %get3A_93 = arith.index_cast %mul3A_87 : i32 to index
          %get3A_94 = tpu.vector_load %arg10[%get3A_93] {strides = array<i32>} : memref<2048xf32, #tpu.memory_space<vmem>>, vector<16xf32>,
          %get3A_95 = arith.index_cast %mul3A_87 : i32 to index
          %get3A_96 = tpu.vector_load %arg11[%get3A_95] {strides = array<i32>} : memref<2048xf32, #tpu.memory_space<vmem>>, vector<16xf32>,
          %get3A_97 = arith.index_cast %mul3A_87 : i32 to index
          %get3A_98 = tpu.vector_load %arg12[%get3A_97] {strides = array<i32>} : memref<2048xf32, #tpu.memory_space<vmem>>, vector<16xf32>,
          %get3A_99 = arith.index_cast %mul3A_87 : i32 to index
          %get3A_100 = tpu.vector_load %arg13[%get3A_99] {strides = array<i32>} : memref<2048xf32, #tpu.memory_space<vmem>>, vector<16xf32>,
          %get3A_101 = arith.index_cast %mul3A_87 : i32 to index
          %get3A_102 = tpu.vector_load %arg14[%get3A_101] {strides = array<i32>} : memref<2048xf32, #tpu.memory_space<vmem>>, vector<16xf32>,
          %get3A_103 = arith.index_cast %mul3A_87 : i32 to index
          %get3A_104 = tpu.vector_load %arg26[%get3A_103] {strides = array<i32>} : memref<2048xf32, #tpu.memory_space<vmem>>, vector<16xf32>,
          %get3A_105 = arith.index_cast %mul3A_87 : i32 to index
          %get3A_106 = tpu.vector_load %arg27[%get3A_105] {strides = array<i32>} : memref<2048xf32, #tpu.memory_space<vmem>>, vector<16xf32>,
          %sub3A = arith.constant 1.000000e+00 : f32
          %sub3A_107 = vector.broadcast %sub3A : f32 to vector<16xf32>
          %sub3A_108 = arith.subf %sub3A_107, %get3A_104 : vector<16xf32>
          %sub3A_109 = arith.constant 1.000000e+00 : f32
          %sub3A_110 = vector.broadcast %sub3A_109 : f32 to vector<16xf32>
          %sub3A_111 = arith.subf %sub3A_110, %get3A_106 : vector<16xf32>
          %mul3A_112 = arith.mulf %sub3A_111, %sub3A_108 : vector<16xf32>
          %mul3A_113 = arith.mulf %get3A_106, %sub3A_108 : vector<16xf32>
          %mul3A_114 = arith.mulf %sub3A_111, %get3A_104 : vector<16xf32>
          %mul3A_115 = arith.mulf %get3A_106, %get3A_104 : vector<16xf32>
          %mul3A_116 = arith.mulf %get3A_88, %mul3A_112 : vector<16xf32>
          %mul3A_117 = arith.mulf %get3A_92, %mul3A_113 : vector<16xf32>
          %add3A_118 = arith.addf %mul3A_116, %mul3A_117 : vector<16xf32>
          %mul3A_119 = arith.mulf %get3A_96, %mul3A_114 : vector<16xf32>
          %add3A_120 = arith.addf %add3A_118, %mul3A_119 : vector<16xf32>
          %mul3A_121 = arith.mulf %get3A_100, %mul3A_115 : vector<16xf32>
          %add3A_122 = arith.addf %add3A_120, %mul3A_121 : vector<16xf32>
          %mul3A_123 = arith.mulf %get3A_90, %mul3A_112 : vector<16xf32>
          %mul3A_124 = arith.mulf %get3A_94, %mul3A_113 : vector<16xf32>
          %add3A_125 = arith.addf %mul3A_123, %mul3A_124 : vector<16xf32>
          %mul3A_126 = arith.mulf %get3A_98, %mul3A_114 : vector<16xf32>
          %add3A_127 = arith.addf %add3A_125, %mul3A_126 : vector<16xf32>
          %mul3A_128 = arith.mulf %get3A_102, %mul3A_115 : vector<16xf32>
          %add3A_129 = arith.addf %add3A_127, %mul3A_128 : vector<16xf32>
          %add3A_130 = vector.broadcast %mul3A_87 : i32 to vector<16xi32>
          %add3A_131 = arith.addi %add3A_130, %iota3A : vector<16xi32>
          %shift_left3A = arith.constant 5 : i32
          %shift_left3A_132 = vector.broadcast %shift_left3A : i32 to vector<16xi32>
          %shift_left3A_133 = arith.shli %add3A_131, %shift_left3A_132 : vector<16xi32>
          %mul3A_134 = arith.constant 2 : i32
          %mul3A_135 = arith.muli %mul3A_134, %while3A_30 : i32
          %add3A_136 = vector.broadcast %mul3A_135 : i32 to vector<16xi32>
          %add3A_137 = arith.addi %shift_left3A_133, %add3A_136 : vector<16xi32>
          tpu.vector_store_idx %arg23[%add3A_137], %add3A_122 : memref<65536xf32, #tpu.memory_space<vmem>>[vector<16xi32>], vector<16xf32>,
          %add3A_138 = arith.constant 1 : i32
          %add3A_139 = vector.broadcast %add3A_138 : i32 to vector<16xi32>
          %add3A_140 = arith.addi %add3A_137, %add3A_139 : vector<16xi32>
          tpu.vector_store_idx %arg23[%add3A_140], %add3A_129 : memref<65536xf32, #tpu.memory_space<vmem>>[vector<16xi32>], vector<16xf32>,
        }
      }
      %while3A_27 = arith.constant 1 : i32
      scf.for %while3A_30 = %while3A_25 to %while3A_21 step %while3A_27  : i32 {
        %broadcast_in_dim3A = vector.broadcast %while3A_30 : i32 to vector<16xi32>
        %gather3A = tpu.vector_load_idx %arg24[%broadcast_in_dim3A] : memref<16xi32, #tpu.memory_space<vmem>>[vector<16xi32>], vector<16xi32>,
        %mul3A_31 = arith.constant 1048576 : i32
        %mul3A_32 = arith.muli %while3A_30, %mul3A_31 : i32
        %while3A_33 = arith.constant 0 : i32
        %while3A_34 = arith.constant 0 : i32
        %while3A_35 = arith.constant 128 : i32
        %while3A_36 = arith.subi %while3A_35, %while3A_34 : i32
        %while3A_37 = arith.addi %while3A_34, %while3A_36 : i32
        %while3A_38 = arith.constant 1 : i32
        %while3A_39 = arith.divsi %while3A_36, %while3A_38 : i32
        %while3A_40 = arith.muli %while3A_39, %while3A_38 : i32
        %while3A_41 = arith.addi %while3A_34, %while3A_40 : i32
        %while3A_42 = arith.constant 1 : i32
        scf.for %while3A_85 = %while3A_34 to %while3A_41 step %while3A_42  : i32 {
          %mul3A_86 = arith.constant 16 : i32
          %mul3A_87 = arith.muli %while3A_85, %mul3A_86 : i32
          %get3A = arith.index_cast %mul3A_87 : i32 to index
          %get3A_88 = tpu.vector_load %arg28[%get3A] {strides = array<i32>} : memref<2048xi32, #tpu.memory_space<vmem>>, vector<16xi32>,
          %get3A_89 = arith.index_cast %mul3A_87 : i32 to index
          %get3A_90 = tpu.vector_load %arg29[%get3A_89] {strides = array<i32>} : memref<2048xi32, #tpu.memory_space<vmem>>, vector<16xi32>,
          %mul3A_91 = arith.muli %get3A_88, %gather3A : vector<16xi32>
          %mul3A_92 = arith.muli %get3A_90, %gather3A : vector<16xi32>
          %shift_right_arithmetic3A = arith.constant 9 : i32
          %shift_right_arithmetic3A_93 = vector.broadcast %shift_right_arithmetic3A : i32 to vector<16xi32>
          %shift_right_arithmetic3A_94 = arith.shrsi %mul3A_91, %shift_right_arithmetic3A_93 : vector<16xi32>
          %shift_right_arithmetic3A_95 = arith.constant 9 : i32
          %shift_right_arithmetic3A_96 = vector.broadcast %shift_right_arithmetic3A_95 : i32 to vector<16xi32>
          %shift_right_arithmetic3A_97 = arith.shrsi %mul3A_92, %shift_right_arithmetic3A_96 : vector<16xi32>
          %mul3A_98 = arith.constant -1640531535 : i32
          %mul3A_99 = vector.broadcast %mul3A_98 : i32 to vector<16xi32>
          %mul3A_100 = arith.muli %shift_right_arithmetic3A_97, %mul3A_99 : vector<16xi32>
          %add3A_101 = arith.constant -1640531535 : i32
          %add3A_102 = vector.broadcast %add3A_101 : i32 to vector<16xi32>
          %add3A_103 = arith.addi %mul3A_100, %add3A_102 : vector<16xi32>
          %add3A_104 = arith.constant 1 : i32
          %add3A_105 = vector.broadcast %add3A_104 : i32 to vector<16xi32>
          %add3A_106 = arith.addi %shift_right_arithmetic3A_94, %add3A_105 : vector<16xi32>
          %xor3A = arith.xori %shift_right_arithmetic3A_94, %mul3A_100 : vector<16xi32>
          %and3A = arith.constant 524287 : i32
          %and3A_107 = vector.broadcast %and3A : i32 to vector<16xi32>
          %and3A_108 = arith.andi %xor3A, %and3A_107 : vector<16xi32>
          %shift_left3A = arith.constant 1 : i32
          %shift_left3A_109 = vector.broadcast %shift_left3A : i32 to vector<16xi32>
          %shift_left3A_110 = arith.shli %and3A_108, %shift_left3A_109 : vector<16xi32>
          %add3A_111 = vector.broadcast %mul3A_32 : i32 to vector<16xi32>
          %add3A_112 = arith.addi %shift_left3A_110, %add3A_111 : vector<16xi32>
          %xor3A_113 = arith.xori %shift_right_arithmetic3A_94, %add3A_103 : vector<16xi32>
          %and3A_114 = arith.constant 524287 : i32
          %and3A_115 = vector.broadcast %and3A_114 : i32 to vector<16xi32>
          %and3A_116 = arith.andi %xor3A_113, %and3A_115 : vector<16xi32>
          %shift_left3A_117 = arith.constant 1 : i32
          %shift_left3A_118 = vector.broadcast %shift_left3A_117 : i32 to vector<16xi32>
          %shift_left3A_119 = arith.shli %and3A_116, %shift_left3A_118 : vector<16xi32>
          %add3A_120 = vector.broadcast %mul3A_32 : i32 to vector<16xi32>
          %add3A_121 = arith.addi %shift_left3A_119, %add3A_120 : vector<16xi32>
          %xor3A_122 = arith.xori %add3A_106, %mul3A_100 : vector<16xi32>
          %and3A_123 = arith.constant 524287 : i32
          %and3A_124 = vector.broadcast %and3A_123 : i32 to vector<16xi32>
          %and3A_125 = arith.andi %xor3A_122, %and3A_124 : vector<16xi32>
          %shift_left3A_126 = arith.constant 1 : i32
          %shift_left3A_127 = vector.broadcast %shift_left3A_126 : i32 to vector<16xi32>
          %shift_left3A_128 = arith.shli %and3A_125, %shift_left3A_127 : vector<16xi32>
          %add3A_129 = vector.broadcast %mul3A_32 : i32 to vector<16xi32>
          %add3A_130 = arith.addi %shift_left3A_128, %add3A_129 : vector<16xi32>
          %xor3A_131 = arith.xori %add3A_106, %add3A_103 : vector<16xi32>
          %and3A_132 = arith.constant 524287 : i32
          %and3A_133 = vector.broadcast %and3A_132 : i32 to vector<16xi32>
          %and3A_134 = arith.andi %xor3A_131, %and3A_133 : vector<16xi32>
          %shift_left3A_135 = arith.constant 1 : i32
          %shift_left3A_136 = vector.broadcast %shift_left3A_135 : i32 to vector<16xi32>
          %shift_left3A_137 = arith.shli %and3A_134, %shift_left3A_136 : vector<16xi32>
          %add3A_138 = vector.broadcast %mul3A_32 : i32 to vector<16xi32>
          %add3A_139 = arith.addi %shift_left3A_137, %add3A_138 : vector<16xi32>
          %swap3A = arith.index_cast %mul3A_87 : i32 to index
          %swap3A_140 = tpu.vector_load %arg15[%swap3A] {strides = array<i32>} : memref<2048xi32, #tpu.memory_space<vmem>>, vector<16xi32>,
          tpu.vector_store %arg15[%swap3A], %add3A_112 {strides = array<i32>} : memref<2048xi32, #tpu.memory_space<vmem>>, vector<16xi32>,
          %add3A_141 = arith.constant 1 : i32
          %add3A_142 = vector.broadcast %add3A_141 : i32 to vector<16xi32>
          %add3A_143 = arith.addi %add3A_112, %add3A_142 : vector<16xi32>
          %swap3A_144 = arith.index_cast %mul3A_87 : i32 to index
          %swap3A_145 = tpu.vector_load %arg16[%swap3A_144] {strides = array<i32>} : memref<2048xi32, #tpu.memory_space<vmem>>, vector<16xi32>,
          tpu.vector_store %arg16[%swap3A_144], %add3A_143 {strides = array<i32>} : memref<2048xi32, #tpu.memory_space<vmem>>, vector<16xi32>,
          %swap3A_146 = arith.index_cast %mul3A_87 : i32 to index
          %swap3A_147 = tpu.vector_load %arg17[%swap3A_146] {strides = array<i32>} : memref<2048xi32, #tpu.memory_space<vmem>>, vector<16xi32>,
          tpu.vector_store %arg17[%swap3A_146], %add3A_121 {strides = array<i32>} : memref<2048xi32, #tpu.memory_space<vmem>>, vector<16xi32>,
          %add3A_148 = arith.constant 1 : i32
          %add3A_149 = vector.broadcast %add3A_148 : i32 to vector<16xi32>
          %add3A_150 = arith.addi %add3A_121, %add3A_149 : vector<16xi32>
          %swap3A_151 = arith.index_cast %mul3A_87 : i32 to index
          %swap3A_152 = tpu.vector_load %arg18[%swap3A_151] {strides = array<i32>} : memref<2048xi32, #tpu.memory_space<vmem>>, vector<16xi32>,
          tpu.vector_store %arg18[%swap3A_151], %add3A_150 {strides = array<i32>} : memref<2048xi32, #tpu.memory_space<vmem>>, vector<16xi32>,
          %swap3A_153 = arith.index_cast %mul3A_87 : i32 to index
          %swap3A_154 = tpu.vector_load %arg19[%swap3A_153] {strides = array<i32>} : memref<2048xi32, #tpu.memory_space<vmem>>, vector<16xi32>,
          tpu.vector_store %arg19[%swap3A_153], %add3A_130 {strides = array<i32>} : memref<2048xi32, #tpu.memory_space<vmem>>, vector<16xi32>,
          %add3A_155 = arith.constant 1 : i32
          %add3A_156 = vector.broadcast %add3A_155 : i32 to vector<16xi32>
          %add3A_157 = arith.addi %add3A_130, %add3A_156 : vector<16xi32>
          %swap3A_158 = arith.index_cast %mul3A_87 : i32 to index
          %swap3A_159 = tpu.vector_load %arg20[%swap3A_158] {strides = array<i32>} : memref<2048xi32, #tpu.memory_space<vmem>>, vector<16xi32>,
          tpu.vector_store %arg20[%swap3A_158], %add3A_157 {strides = array<i32>} : memref<2048xi32, #tpu.memory_space<vmem>>, vector<16xi32>,
          %swap3A_160 = arith.index_cast %mul3A_87 : i32 to index
          %swap3A_161 = tpu.vector_load %arg21[%swap3A_160] {strides = array<i32>} : memref<2048xi32, #tpu.memory_space<vmem>>, vector<16xi32>,
          tpu.vector_store %arg21[%swap3A_160], %add3A_139 {strides = array<i32>} : memref<2048xi32, #tpu.memory_space<vmem>>, vector<16xi32>,
          %add3A_162 = arith.constant 1 : i32
          %add3A_163 = vector.broadcast %add3A_162 : i32 to vector<16xi32>
          %add3A_164 = arith.addi %add3A_139, %add3A_163 : vector<16xi32>
          %swap3A_165 = arith.index_cast %mul3A_87 : i32 to index
          %swap3A_166 = tpu.vector_load %arg22[%swap3A_165] {strides = array<i32>} : memref<2048xi32, #tpu.memory_space<vmem>>, vector<16xi32>,
          tpu.vector_store %arg22[%swap3A_165], %add3A_164 {strides = array<i32>} : memref<2048xi32, #tpu.memory_space<vmem>>, vector<16xi32>,
          %and3A_167 = arith.constant 511 : i32
          %and3A_168 = vector.broadcast %and3A_167 : i32 to vector<16xi32>
          %and3A_169 = arith.andi %mul3A_91, %and3A_168 : vector<16xi32>
          %convert_element_type3A = arith.sitofp %and3A_169 : vector<16xi32> to vector<16xf32>
          %mul3A_170 = arith.constant 0.001953125 : f32
          %mul3A_171 = vector.broadcast %mul3A_170 : f32 to vector<16xf32>
          %mul3A_172 = arith.mulf %convert_element_type3A, %mul3A_171 : vector<16xf32>
          %swap3A_173 = arith.index_cast %mul3A_87 : i32 to index
          %swap3A_174 = tpu.vector_load %arg26[%swap3A_173] {strides = array<i32>} : memref<2048xf32, #tpu.memory_space<vmem>>, vector<16xf32>,
          tpu.vector_store %arg26[%swap3A_173], %mul3A_172 {strides = array<i32>} : memref<2048xf32, #tpu.memory_space<vmem>>, vector<16xf32>,
          %and3A_175 = arith.constant 511 : i32
          %and3A_176 = vector.broadcast %and3A_175 : i32 to vector<16xi32>
          %and3A_177 = arith.andi %mul3A_92, %and3A_176 : vector<16xi32>
          %convert_element_type3A_178 = arith.sitofp %and3A_177 : vector<16xi32> to vector<16xf32>
          %mul3A_179 = arith.constant 0.001953125 : f32
          %mul3A_180 = vector.broadcast %mul3A_179 : f32 to vector<16xf32>
          %mul3A_181 = arith.mulf %convert_element_type3A_178, %mul3A_180 : vector<16xf32>
          %swap3A_182 = arith.index_cast %mul3A_87 : i32 to index
          %swap3A_183 = tpu.vector_load %arg27[%swap3A_182] {strides = array<i32>} : memref<2048xf32, #tpu.memory_space<vmem>>, vector<16xf32>,
          tpu.vector_store %arg27[%swap3A_182], %mul3A_181 {strides = array<i32>} : memref<2048xf32, #tpu.memory_space<vmem>>, vector<16xf32>,
        }
        %while3A_43 = arith.constant 1 : i32
        scf.for %while3A_85 = %while3A_41 to %while3A_37 step %while3A_43  : i32 {
          %mul3A_86 = arith.constant 16 : i32
          %mul3A_87 = arith.muli %while3A_85, %mul3A_86 : i32
          %get3A = arith.index_cast %mul3A_87 : i32 to index
          %get3A_88 = tpu.vector_load %arg28[%get3A] {strides = array<i32>} : memref<2048xi32, #tpu.memory_space<vmem>>, vector<16xi32>,
          %get3A_89 = arith.index_cast %mul3A_87 : i32 to index
          %get3A_90 = tpu.vector_load %arg29[%get3A_89] {strides = array<i32>} : memref<2048xi32, #tpu.memory_space<vmem>>, vector<16xi32>,
          %mul3A_91 = arith.muli %get3A_88, %gather3A : vector<16xi32>
          %mul3A_92 = arith.muli %get3A_90, %gather3A : vector<16xi32>
          %shift_right_arithmetic3A = arith.constant 9 : i32
          %shift_right_arithmetic3A_93 = vector.broadcast %shift_right_arithmetic3A : i32 to vector<16xi32>
          %shift_right_arithmetic3A_94 = arith.shrsi %mul3A_91, %shift_right_arithmetic3A_93 : vector<16xi32>
          %shift_right_arithmetic3A_95 = arith.constant 9 : i32
          %shift_right_arithmetic3A_96 = vector.broadcast %shift_right_arithmetic3A_95 : i32 to vector<16xi32>
          %shift_right_arithmetic3A_97 = arith.shrsi %mul3A_92, %shift_right_arithmetic3A_96 : vector<16xi32>
          %mul3A_98 = arith.constant -1640531535 : i32
          %mul3A_99 = vector.broadcast %mul3A_98 : i32 to vector<16xi32>
          %mul3A_100 = arith.muli %shift_right_arithmetic3A_97, %mul3A_99 : vector<16xi32>
          %add3A_101 = arith.constant -1640531535 : i32
          %add3A_102 = vector.broadcast %add3A_101 : i32 to vector<16xi32>
          %add3A_103 = arith.addi %mul3A_100, %add3A_102 : vector<16xi32>
          %add3A_104 = arith.constant 1 : i32
          %add3A_105 = vector.broadcast %add3A_104 : i32 to vector<16xi32>
          %add3A_106 = arith.addi %shift_right_arithmetic3A_94, %add3A_105 : vector<16xi32>
          %xor3A = arith.xori %shift_right_arithmetic3A_94, %mul3A_100 : vector<16xi32>
          %and3A = arith.constant 524287 : i32
          %and3A_107 = vector.broadcast %and3A : i32 to vector<16xi32>
          %and3A_108 = arith.andi %xor3A, %and3A_107 : vector<16xi32>
          %shift_left3A = arith.constant 1 : i32
          %shift_left3A_109 = vector.broadcast %shift_left3A : i32 to vector<16xi32>
          %shift_left3A_110 = arith.shli %and3A_108, %shift_left3A_109 : vector<16xi32>
          %add3A_111 = vector.broadcast %mul3A_32 : i32 to vector<16xi32>
          %add3A_112 = arith.addi %shift_left3A_110, %add3A_111 : vector<16xi32>
          %xor3A_113 = arith.xori %shift_right_arithmetic3A_94, %add3A_103 : vector<16xi32>
          %and3A_114 = arith.constant 524287 : i32
          %and3A_115 = vector.broadcast %and3A_114 : i32 to vector<16xi32>
          %and3A_116 = arith.andi %xor3A_113, %and3A_115 : vector<16xi32>
          %shift_left3A_117 = arith.constant 1 : i32
          %shift_left3A_118 = vector.broadcast %shift_left3A_117 : i32 to vector<16xi32>
          %shift_left3A_119 = arith.shli %and3A_116, %shift_left3A_118 : vector<16xi32>
          %add3A_120 = vector.broadcast %mul3A_32 : i32 to vector<16xi32>
          %add3A_121 = arith.addi %shift_left3A_119, %add3A_120 : vector<16xi32>
          %xor3A_122 = arith.xori %add3A_106, %mul3A_100 : vector<16xi32>
          %and3A_123 = arith.constant 524287 : i32
          %and3A_124 = vector.broadcast %and3A_123 : i32 to vector<16xi32>
          %and3A_125 = arith.andi %xor3A_122, %and3A_124 : vector<16xi32>
          %shift_left3A_126 = arith.constant 1 : i32
          %shift_left3A_127 = vector.broadcast %shift_left3A_126 : i32 to vector<16xi32>
          %shift_left3A_128 = arith.shli %and3A_125, %shift_left3A_127 : vector<16xi32>
          %add3A_129 = vector.broadcast %mul3A_32 : i32 to vector<16xi32>
          %add3A_130 = arith.addi %shift_left3A_128, %add3A_129 : vector<16xi32>
          %xor3A_131 = arith.xori %add3A_106, %add3A_103 : vector<16xi32>
          %and3A_132 = arith.constant 524287 : i32
          %and3A_133 = vector.broadcast %and3A_132 : i32 to vector<16xi32>
          %and3A_134 = arith.andi %xor3A_131, %and3A_133 : vector<16xi32>
          %shift_left3A_135 = arith.constant 1 : i32
          %shift_left3A_136 = vector.broadcast %shift_left3A_135 : i32 to vector<16xi32>
          %shift_left3A_137 = arith.shli %and3A_134, %shift_left3A_136 : vector<16xi32>
          %add3A_138 = vector.broadcast %mul3A_32 : i32 to vector<16xi32>
          %add3A_139 = arith.addi %shift_left3A_137, %add3A_138 : vector<16xi32>
          %swap3A = arith.index_cast %mul3A_87 : i32 to index
          %swap3A_140 = tpu.vector_load %arg15[%swap3A] {strides = array<i32>} : memref<2048xi32, #tpu.memory_space<vmem>>, vector<16xi32>,
          tpu.vector_store %arg15[%swap3A], %add3A_112 {strides = array<i32>} : memref<2048xi32, #tpu.memory_space<vmem>>, vector<16xi32>,
          %add3A_141 = arith.constant 1 : i32
          %add3A_142 = vector.broadcast %add3A_141 : i32 to vector<16xi32>
          %add3A_143 = arith.addi %add3A_112, %add3A_142 : vector<16xi32>
          %swap3A_144 = arith.index_cast %mul3A_87 : i32 to index
          %swap3A_145 = tpu.vector_load %arg16[%swap3A_144] {strides = array<i32>} : memref<2048xi32, #tpu.memory_space<vmem>>, vector<16xi32>,
          tpu.vector_store %arg16[%swap3A_144], %add3A_143 {strides = array<i32>} : memref<2048xi32, #tpu.memory_space<vmem>>, vector<16xi32>,
          %swap3A_146 = arith.index_cast %mul3A_87 : i32 to index
          %swap3A_147 = tpu.vector_load %arg17[%swap3A_146] {strides = array<i32>} : memref<2048xi32, #tpu.memory_space<vmem>>, vector<16xi32>,
          tpu.vector_store %arg17[%swap3A_146], %add3A_121 {strides = array<i32>} : memref<2048xi32, #tpu.memory_space<vmem>>, vector<16xi32>,
          %add3A_148 = arith.constant 1 : i32
          %add3A_149 = vector.broadcast %add3A_148 : i32 to vector<16xi32>
          %add3A_150 = arith.addi %add3A_121, %add3A_149 : vector<16xi32>
          %swap3A_151 = arith.index_cast %mul3A_87 : i32 to index
          %swap3A_152 = tpu.vector_load %arg18[%swap3A_151] {strides = array<i32>} : memref<2048xi32, #tpu.memory_space<vmem>>, vector<16xi32>,
          tpu.vector_store %arg18[%swap3A_151], %add3A_150 {strides = array<i32>} : memref<2048xi32, #tpu.memory_space<vmem>>, vector<16xi32>,
          %swap3A_153 = arith.index_cast %mul3A_87 : i32 to index
          %swap3A_154 = tpu.vector_load %arg19[%swap3A_153] {strides = array<i32>} : memref<2048xi32, #tpu.memory_space<vmem>>, vector<16xi32>,
          tpu.vector_store %arg19[%swap3A_153], %add3A_130 {strides = array<i32>} : memref<2048xi32, #tpu.memory_space<vmem>>, vector<16xi32>,
          %add3A_155 = arith.constant 1 : i32
          %add3A_156 = vector.broadcast %add3A_155 : i32 to vector<16xi32>
          %add3A_157 = arith.addi %add3A_130, %add3A_156 : vector<16xi32>
          %swap3A_158 = arith.index_cast %mul3A_87 : i32 to index
          %swap3A_159 = tpu.vector_load %arg20[%swap3A_158] {strides = array<i32>} : memref<2048xi32, #tpu.memory_space<vmem>>, vector<16xi32>,
          tpu.vector_store %arg20[%swap3A_158], %add3A_157 {strides = array<i32>} : memref<2048xi32, #tpu.memory_space<vmem>>, vector<16xi32>,
          %swap3A_160 = arith.index_cast %mul3A_87 : i32 to index
          %swap3A_161 = tpu.vector_load %arg21[%swap3A_160] {strides = array<i32>} : memref<2048xi32, #tpu.memory_space<vmem>>, vector<16xi32>,
          tpu.vector_store %arg21[%swap3A_160], %add3A_139 {strides = array<i32>} : memref<2048xi32, #tpu.memory_space<vmem>>, vector<16xi32>,
          %add3A_162 = arith.constant 1 : i32
          %add3A_163 = vector.broadcast %add3A_162 : i32 to vector<16xi32>
          %add3A_164 = arith.addi %add3A_139, %add3A_163 : vector<16xi32>
          %swap3A_165 = arith.index_cast %mul3A_87 : i32 to index
          %swap3A_166 = tpu.vector_load %arg22[%swap3A_165] {strides = array<i32>} : memref<2048xi32, #tpu.memory_space<vmem>>, vector<16xi32>,
          tpu.vector_store %arg22[%swap3A_165], %add3A_164 {strides = array<i32>} : memref<2048xi32, #tpu.memory_space<vmem>>, vector<16xi32>,
          %and3A_167 = arith.constant 511 : i32
          %and3A_168 = vector.broadcast %and3A_167 : i32 to vector<16xi32>
          %and3A_169 = arith.andi %mul3A_91, %and3A_168 : vector<16xi32>
          %convert_element_type3A = arith.sitofp %and3A_169 : vector<16xi32> to vector<16xf32>
          %mul3A_170 = arith.constant 0.001953125 : f32
          %mul3A_171 = vector.broadcast %mul3A_170 : f32 to vector<16xf32>
          %mul3A_172 = arith.mulf %convert_element_type3A, %mul3A_171 : vector<16xf32>
          %swap3A_173 = arith.index_cast %mul3A_87 : i32 to index
          %swap3A_174 = tpu.vector_load %arg26[%swap3A_173] {strides = array<i32>} : memref<2048xf32, #tpu.memory_space<vmem>>, vector<16xf32>,
          tpu.vector_store %arg26[%swap3A_173], %mul3A_172 {strides = array<i32>} : memref<2048xf32, #tpu.memory_space<vmem>>, vector<16xf32>,
          %and3A_175 = arith.constant 511 : i32
          %and3A_176 = vector.broadcast %and3A_175 : i32 to vector<16xi32>
          %and3A_177 = arith.andi %mul3A_92, %and3A_176 : vector<16xi32>
          %convert_element_type3A_178 = arith.sitofp %and3A_177 : vector<16xi32> to vector<16xf32>
          %mul3A_179 = arith.constant 0.001953125 : f32
          %mul3A_180 = vector.broadcast %mul3A_179 : f32 to vector<16xf32>
          %mul3A_181 = arith.mulf %convert_element_type3A_178, %mul3A_180 : vector<16xf32>
          %swap3A_182 = arith.index_cast %mul3A_87 : i32 to index
          %swap3A_183 = tpu.vector_load %arg27[%swap3A_182] {strides = array<i32>} : memref<2048xf32, #tpu.memory_space<vmem>>, vector<16xf32>,
          tpu.vector_store %arg27[%swap3A_182], %mul3A_181 {strides = array<i32>} : memref<2048xf32, #tpu.memory_space<vmem>>, vector<16xf32>,
        }
        %dma_start3A = arith.constant 0 : i32
        %dma_start3A_44 = tpu.memref_slice %arg2[%dma_start3A] : memref<16777216xf32, #tpu.memory_space<hbm>> -> memref<16777216xf32, #tpu.memory_space<hbm>>
        tpu.enqueue_indirect_dma source(%dma_start3A_44 : memref<16777216xf32, #tpu.memory_space<hbm>>) target(%arg7 : memref<2048xf32, #tpu.memory_space<vmem>>) offsets(%arg15 : memref<2048xi32, #tpu.memory_space<vmem>>) semaphore(%arg25 : memref<!tpu.dma_semaphore, #tpu.memory_space<semaphore_mem>>)
        %dma_start3A_45 = arith.constant 0 : i32
        %dma_start3A_46 = tpu.memref_slice %arg2[%dma_start3A_45] : memref<16777216xf32, #tpu.memory_space<hbm>> -> memref<16777216xf32, #tpu.memory_space<hbm>>
        tpu.enqueue_indirect_dma source(%dma_start3A_46 : memref<16777216xf32, #tpu.memory_space<hbm>>) target(%arg8 : memref<2048xf32, #tpu.memory_space<vmem>>) offsets(%arg16 : memref<2048xi32, #tpu.memory_space<vmem>>) semaphore(%arg25 : memref<!tpu.dma_semaphore, #tpu.memory_space<semaphore_mem>>)
        %dma_start3A_47 = arith.constant 0 : i32
        %dma_start3A_48 = tpu.memref_slice %arg2[%dma_start3A_47] : memref<16777216xf32, #tpu.memory_space<hbm>> -> memref<16777216xf32, #tpu.memory_space<hbm>>
        tpu.enqueue_indirect_dma source(%dma_start3A_48 : memref<16777216xf32, #tpu.memory_space<hbm>>) target(%arg9 : memref<2048xf32, #tpu.memory_space<vmem>>) offsets(%arg17 : memref<2048xi32, #tpu.memory_space<vmem>>) semaphore(%arg25 : memref<!tpu.dma_semaphore, #tpu.memory_space<semaphore_mem>>)
        %dma_start3A_49 = arith.constant 0 : i32
        %dma_start3A_50 = tpu.memref_slice %arg2[%dma_start3A_49] : memref<16777216xf32, #tpu.memory_space<hbm>> -> memref<16777216xf32, #tpu.memory_space<hbm>>
        tpu.enqueue_indirect_dma source(%dma_start3A_50 : memref<16777216xf32, #tpu.memory_space<hbm>>) target(%arg10 : memref<2048xf32, #tpu.memory_space<vmem>>) offsets(%arg18 : memref<2048xi32, #tpu.memory_space<vmem>>) semaphore(%arg25 : memref<!tpu.dma_semaphore, #tpu.memory_space<semaphore_mem>>)
        %dma_start3A_51 = arith.constant 0 : i32
        %dma_start3A_52 = tpu.memref_slice %arg2[%dma_start3A_51] : memref<16777216xf32, #tpu.memory_space<hbm>> -> memref<16777216xf32, #tpu.memory_space<hbm>>
        tpu.enqueue_indirect_dma source(%dma_start3A_52 : memref<16777216xf32, #tpu.memory_space<hbm>>) target(%arg11 : memref<2048xf32, #tpu.memory_space<vmem>>) offsets(%arg19 : memref<2048xi32, #tpu.memory_space<vmem>>) semaphore(%arg25 : memref<!tpu.dma_semaphore, #tpu.memory_space<semaphore_mem>>)
        %dma_start3A_53 = arith.constant 0 : i32
        %dma_start3A_54 = tpu.memref_slice %arg2[%dma_start3A_53] : memref<16777216xf32, #tpu.memory_space<hbm>> -> memref<16777216xf32, #tpu.memory_space<hbm>>
        tpu.enqueue_indirect_dma source(%dma_start3A_54 : memref<16777216xf32, #tpu.memory_space<hbm>>) target(%arg12 : memref<2048xf32, #tpu.memory_space<vmem>>) offsets(%arg20 : memref<2048xi32, #tpu.memory_space<vmem>>) semaphore(%arg25 : memref<!tpu.dma_semaphore, #tpu.memory_space<semaphore_mem>>)
        %dma_start3A_55 = arith.constant 0 : i32
        %dma_start3A_56 = tpu.memref_slice %arg2[%dma_start3A_55] : memref<16777216xf32, #tpu.memory_space<hbm>> -> memref<16777216xf32, #tpu.memory_space<hbm>>
        tpu.enqueue_indirect_dma source(%dma_start3A_56 : memref<16777216xf32, #tpu.memory_space<hbm>>) target(%arg13 : memref<2048xf32, #tpu.memory_space<vmem>>) offsets(%arg21 : memref<2048xi32, #tpu.memory_space<vmem>>) semaphore(%arg25 : memref<!tpu.dma_semaphore, #tpu.memory_space<semaphore_mem>>)
        %dma_start3A_57 = arith.constant 0 : i32
        %dma_start3A_58 = tpu.memref_slice %arg2[%dma_start3A_57] : memref<16777216xf32, #tpu.memory_space<hbm>> -> memref<16777216xf32, #tpu.memory_space<hbm>>
        tpu.enqueue_indirect_dma source(%dma_start3A_58 : memref<16777216xf32, #tpu.memory_space<hbm>>) target(%arg14 : memref<2048xf32, #tpu.memory_space<vmem>>) offsets(%arg22 : memref<2048xi32, #tpu.memory_space<vmem>>) semaphore(%arg25 : memref<!tpu.dma_semaphore, #tpu.memory_space<semaphore_mem>>)
        %dma_wait3A = arith.constant 0 : i32
        %dma_wait3A_59 = tpu.memref_slice %arg2[%dma_wait3A] : memref<16777216xf32, #tpu.memory_space<hbm>> -> memref<16777216xf32, #tpu.memory_space<hbm>>
        tpu.wait_indirect_dma semaphore(%arg25 : memref<!tpu.dma_semaphore, #tpu.memory_space<semaphore_mem>>) src(%dma_wait3A_59 : memref<16777216xf32, #tpu.memory_space<hbm>>) dst(%arg7 : memref<2048xf32, #tpu.memory_space<vmem>>)
        %dma_wait3A_60 = arith.constant 0 : i32
        %dma_wait3A_61 = tpu.memref_slice %arg2[%dma_wait3A_60] : memref<16777216xf32, #tpu.memory_space<hbm>> -> memref<16777216xf32, #tpu.memory_space<hbm>>
        tpu.wait_indirect_dma semaphore(%arg25 : memref<!tpu.dma_semaphore, #tpu.memory_space<semaphore_mem>>) src(%dma_wait3A_61 : memref<16777216xf32, #tpu.memory_space<hbm>>) dst(%arg8 : memref<2048xf32, #tpu.memory_space<vmem>>)
        %dma_wait3A_62 = arith.constant 0 : i32
        %dma_wait3A_63 = tpu.memref_slice %arg2[%dma_wait3A_62] : memref<16777216xf32, #tpu.memory_space<hbm>> -> memref<16777216xf32, #tpu.memory_space<hbm>>
        tpu.wait_indirect_dma semaphore(%arg25 : memref<!tpu.dma_semaphore, #tpu.memory_space<semaphore_mem>>) src(%dma_wait3A_63 : memref<16777216xf32, #tpu.memory_space<hbm>>) dst(%arg9 : memref<2048xf32, #tpu.memory_space<vmem>>)
        %dma_wait3A_64 = arith.constant 0 : i32
        %dma_wait3A_65 = tpu.memref_slice %arg2[%dma_wait3A_64] : memref<16777216xf32, #tpu.memory_space<hbm>> -> memref<16777216xf32, #tpu.memory_space<hbm>>
        tpu.wait_indirect_dma semaphore(%arg25 : memref<!tpu.dma_semaphore, #tpu.memory_space<semaphore_mem>>) src(%dma_wait3A_65 : memref<16777216xf32, #tpu.memory_space<hbm>>) dst(%arg10 : memref<2048xf32, #tpu.memory_space<vmem>>)
        %dma_wait3A_66 = arith.constant 0 : i32
        %dma_wait3A_67 = tpu.memref_slice %arg2[%dma_wait3A_66] : memref<16777216xf32, #tpu.memory_space<hbm>> -> memref<16777216xf32, #tpu.memory_space<hbm>>
        tpu.wait_indirect_dma semaphore(%arg25 : memref<!tpu.dma_semaphore, #tpu.memory_space<semaphore_mem>>) src(%dma_wait3A_67 : memref<16777216xf32, #tpu.memory_space<hbm>>) dst(%arg11 : memref<2048xf32, #tpu.memory_space<vmem>>)
        %dma_wait3A_68 = arith.constant 0 : i32
        %dma_wait3A_69 = tpu.memref_slice %arg2[%dma_wait3A_68] : memref<16777216xf32, #tpu.memory_space<hbm>> -> memref<16777216xf32, #tpu.memory_space<hbm>>
        tpu.wait_indirect_dma semaphore(%arg25 : memref<!tpu.dma_semaphore, #tpu.memory_space<semaphore_mem>>) src(%dma_wait3A_69 : memref<16777216xf32, #tpu.memory_space<hbm>>) dst(%arg12 : memref<2048xf32, #tpu.memory_space<vmem>>)
        %dma_wait3A_70 = arith.constant 0 : i32
        %dma_wait3A_71 = tpu.memref_slice %arg2[%dma_wait3A_70] : memref<16777216xf32, #tpu.memory_space<hbm>> -> memref<16777216xf32, #tpu.memory_space<hbm>>
        tpu.wait_indirect_dma semaphore(%arg25 : memref<!tpu.dma_semaphore, #tpu.memory_space<semaphore_mem>>) src(%dma_wait3A_71 : memref<16777216xf32, #tpu.memory_space<hbm>>) dst(%arg13 : memref<2048xf32, #tpu.memory_space<vmem>>)
        %dma_wait3A_72 = arith.constant 0 : i32
        %dma_wait3A_73 = tpu.memref_slice %arg2[%dma_wait3A_72] : memref<16777216xf32, #tpu.memory_space<hbm>> -> memref<16777216xf32, #tpu.memory_space<hbm>>
        tpu.wait_indirect_dma semaphore(%arg25 : memref<!tpu.dma_semaphore, #tpu.memory_space<semaphore_mem>>) src(%dma_wait3A_73 : memref<16777216xf32, #tpu.memory_space<hbm>>) dst(%arg14 : memref<2048xf32, #tpu.memory_space<vmem>>)
        %while3A_74 = arith.constant 0 : i32
        %while3A_75 = arith.constant 0 : i32
        %while3A_76 = arith.constant 128 : i32
        %while3A_77 = arith.subi %while3A_76, %while3A_75 : i32
        %while3A_78 = arith.addi %while3A_75, %while3A_77 : i32
        %while3A_79 = arith.constant 1 : i32
        %while3A_80 = arith.divsi %while3A_77, %while3A_79 : i32
        %while3A_81 = arith.muli %while3A_80, %while3A_79 : i32
        %while3A_82 = arith.addi %while3A_75, %while3A_81 : i32
        %while3A_83 = arith.constant 1 : i32
        scf.for %while3A_85 = %while3A_75 to %while3A_82 step %while3A_83  : i32 {
          %mul3A_86 = arith.constant 16 : i32
          %mul3A_87 = arith.muli %while3A_85, %mul3A_86 : i32
          %get3A = arith.index_cast %mul3A_87 : i32 to index
          %get3A_88 = tpu.vector_load %arg7[%get3A] {strides = array<i32>} : memref<2048xf32, #tpu.memory_space<vmem>>, vector<16xf32>,
          %get3A_89 = arith.index_cast %mul3A_87 : i32 to index
          %get3A_90 = tpu.vector_load %arg8[%get3A_89] {strides = array<i32>} : memref<2048xf32, #tpu.memory_space<vmem>>, vector<16xf32>,
          %get3A_91 = arith.index_cast %mul3A_87 : i32 to index
          %get3A_92 = tpu.vector_load %arg9[%get3A_91] {strides = array<i32>} : memref<2048xf32, #tpu.memory_space<vmem>>, vector<16xf32>,
          %get3A_93 = arith.index_cast %mul3A_87 : i32 to index
          %get3A_94 = tpu.vector_load %arg10[%get3A_93] {strides = array<i32>} : memref<2048xf32, #tpu.memory_space<vmem>>, vector<16xf32>,
          %get3A_95 = arith.index_cast %mul3A_87 : i32 to index
          %get3A_96 = tpu.vector_load %arg11[%get3A_95] {strides = array<i32>} : memref<2048xf32, #tpu.memory_space<vmem>>, vector<16xf32>,
          %get3A_97 = arith.index_cast %mul3A_87 : i32 to index
          %get3A_98 = tpu.vector_load %arg12[%get3A_97] {strides = array<i32>} : memref<2048xf32, #tpu.memory_space<vmem>>, vector<16xf32>,
          %get3A_99 = arith.index_cast %mul3A_87 : i32 to index
          %get3A_100 = tpu.vector_load %arg13[%get3A_99] {strides = array<i32>} : memref<2048xf32, #tpu.memory_space<vmem>>, vector<16xf32>,
          %get3A_101 = arith.index_cast %mul3A_87 : i32 to index
          %get3A_102 = tpu.vector_load %arg14[%get3A_101] {strides = array<i32>} : memref<2048xf32, #tpu.memory_space<vmem>>, vector<16xf32>,
          %get3A_103 = arith.index_cast %mul3A_87 : i32 to index
          %get3A_104 = tpu.vector_load %arg26[%get3A_103] {strides = array<i32>} : memref<2048xf32, #tpu.memory_space<vmem>>, vector<16xf32>,
          %get3A_105 = arith.index_cast %mul3A_87 : i32 to index
          %get3A_106 = tpu.vector_load %arg27[%get3A_105] {strides = array<i32>} : memref<2048xf32, #tpu.memory_space<vmem>>, vector<16xf32>,
          %sub3A = arith.constant 1.000000e+00 : f32
          %sub3A_107 = vector.broadcast %sub3A : f32 to vector<16xf32>
          %sub3A_108 = arith.subf %sub3A_107, %get3A_104 : vector<16xf32>
          %sub3A_109 = arith.constant 1.000000e+00 : f32
          %sub3A_110 = vector.broadcast %sub3A_109 : f32 to vector<16xf32>
          %sub3A_111 = arith.subf %sub3A_110, %get3A_106 : vector<16xf32>
          %mul3A_112 = arith.mulf %sub3A_111, %sub3A_108 : vector<16xf32>
          %mul3A_113 = arith.mulf %get3A_106, %sub3A_108 : vector<16xf32>
          %mul3A_114 = arith.mulf %sub3A_111, %get3A_104 : vector<16xf32>
          %mul3A_115 = arith.mulf %get3A_106, %get3A_104 : vector<16xf32>
          %mul3A_116 = arith.mulf %get3A_88, %mul3A_112 : vector<16xf32>
          %mul3A_117 = arith.mulf %get3A_92, %mul3A_113 : vector<16xf32>
          %add3A_118 = arith.addf %mul3A_116, %mul3A_117 : vector<16xf32>
          %mul3A_119 = arith.mulf %get3A_96, %mul3A_114 : vector<16xf32>
          %add3A_120 = arith.addf %add3A_118, %mul3A_119 : vector<16xf32>
          %mul3A_121 = arith.mulf %get3A_100, %mul3A_115 : vector<16xf32>
          %add3A_122 = arith.addf %add3A_120, %mul3A_121 : vector<16xf32>
          %mul3A_123 = arith.mulf %get3A_90, %mul3A_112 : vector<16xf32>
          %mul3A_124 = arith.mulf %get3A_94, %mul3A_113 : vector<16xf32>
          %add3A_125 = arith.addf %mul3A_123, %mul3A_124 : vector<16xf32>
          %mul3A_126 = arith.mulf %get3A_98, %mul3A_114 : vector<16xf32>
          %add3A_127 = arith.addf %add3A_125, %mul3A_126 : vector<16xf32>
          %mul3A_128 = arith.mulf %get3A_102, %mul3A_115 : vector<16xf32>
          %add3A_129 = arith.addf %add3A_127, %mul3A_128 : vector<16xf32>
          %add3A_130 = vector.broadcast %mul3A_87 : i32 to vector<16xi32>
          %add3A_131 = arith.addi %add3A_130, %iota3A : vector<16xi32>
          %shift_left3A = arith.constant 5 : i32
          %shift_left3A_132 = vector.broadcast %shift_left3A : i32 to vector<16xi32>
          %shift_left3A_133 = arith.shli %add3A_131, %shift_left3A_132 : vector<16xi32>
          %mul3A_134 = arith.constant 2 : i32
          %mul3A_135 = arith.muli %mul3A_134, %while3A_30 : i32
          %add3A_136 = vector.broadcast %mul3A_135 : i32 to vector<16xi32>
          %add3A_137 = arith.addi %shift_left3A_133, %add3A_136 : vector<16xi32>
          tpu.vector_store_idx %arg23[%add3A_137], %add3A_122 : memref<65536xf32, #tpu.memory_space<vmem>>[vector<16xi32>], vector<16xf32>,
          %add3A_138 = arith.constant 1 : i32
          %add3A_139 = vector.broadcast %add3A_138 : i32 to vector<16xi32>
          %add3A_140 = arith.addi %add3A_137, %add3A_139 : vector<16xi32>
          tpu.vector_store_idx %arg23[%add3A_140], %add3A_129 : memref<65536xf32, #tpu.memory_space<vmem>>[vector<16xi32>], vector<16xf32>,
        }
        %while3A_84 = arith.constant 1 : i32
        scf.for %while3A_85 = %while3A_82 to %while3A_78 step %while3A_84  : i32 {
          %mul3A_86 = arith.constant 16 : i32
          %mul3A_87 = arith.muli %while3A_85, %mul3A_86 : i32
          %get3A = arith.index_cast %mul3A_87 : i32 to index
          %get3A_88 = tpu.vector_load %arg7[%get3A] {strides = array<i32>} : memref<2048xf32, #tpu.memory_space<vmem>>, vector<16xf32>,
          %get3A_89 = arith.index_cast %mul3A_87 : i32 to index
          %get3A_90 = tpu.vector_load %arg8[%get3A_89] {strides = array<i32>} : memref<2048xf32, #tpu.memory_space<vmem>>, vector<16xf32>,
          %get3A_91 = arith.index_cast %mul3A_87 : i32 to index
          %get3A_92 = tpu.vector_load %arg9[%get3A_91] {strides = array<i32>} : memref<2048xf32, #tpu.memory_space<vmem>>, vector<16xf32>,
          %get3A_93 = arith.index_cast %mul3A_87 : i32 to index
          %get3A_94 = tpu.vector_load %arg10[%get3A_93] {strides = array<i32>} : memref<2048xf32, #tpu.memory_space<vmem>>, vector<16xf32>,
          %get3A_95 = arith.index_cast %mul3A_87 : i32 to index
          %get3A_96 = tpu.vector_load %arg11[%get3A_95] {strides = array<i32>} : memref<2048xf32, #tpu.memory_space<vmem>>, vector<16xf32>,
          %get3A_97 = arith.index_cast %mul3A_87 : i32 to index
          %get3A_98 = tpu.vector_load %arg12[%get3A_97] {strides = array<i32>} : memref<2048xf32, #tpu.memory_space<vmem>>, vector<16xf32>,
          %get3A_99 = arith.index_cast %mul3A_87 : i32 to index
          %get3A_100 = tpu.vector_load %arg13[%get3A_99] {strides = array<i32>} : memref<2048xf32, #tpu.memory_space<vmem>>, vector<16xf32>,
          %get3A_101 = arith.index_cast %mul3A_87 : i32 to index
          %get3A_102 = tpu.vector_load %arg14[%get3A_101] {strides = array<i32>} : memref<2048xf32, #tpu.memory_space<vmem>>, vector<16xf32>,
          %get3A_103 = arith.index_cast %mul3A_87 : i32 to index
          %get3A_104 = tpu.vector_load %arg26[%get3A_103] {strides = array<i32>} : memref<2048xf32, #tpu.memory_space<vmem>>, vector<16xf32>,
          %get3A_105 = arith.index_cast %mul3A_87 : i32 to index
          %get3A_106 = tpu.vector_load %arg27[%get3A_105] {strides = array<i32>} : memref<2048xf32, #tpu.memory_space<vmem>>, vector<16xf32>,
          %sub3A = arith.constant 1.000000e+00 : f32
          %sub3A_107 = vector.broadcast %sub3A : f32 to vector<16xf32>
          %sub3A_108 = arith.subf %sub3A_107, %get3A_104 : vector<16xf32>
          %sub3A_109 = arith.constant 1.000000e+00 : f32
          %sub3A_110 = vector.broadcast %sub3A_109 : f32 to vector<16xf32>
          %sub3A_111 = arith.subf %sub3A_110, %get3A_106 : vector<16xf32>
          %mul3A_112 = arith.mulf %sub3A_111, %sub3A_108 : vector<16xf32>
          %mul3A_113 = arith.mulf %get3A_106, %sub3A_108 : vector<16xf32>
          %mul3A_114 = arith.mulf %sub3A_111, %get3A_104 : vector<16xf32>
          %mul3A_115 = arith.mulf %get3A_106, %get3A_104 : vector<16xf32>
          %mul3A_116 = arith.mulf %get3A_88, %mul3A_112 : vector<16xf32>
          %mul3A_117 = arith.mulf %get3A_92, %mul3A_113 : vector<16xf32>
          %add3A_118 = arith.addf %mul3A_116, %mul3A_117 : vector<16xf32>
          %mul3A_119 = arith.mulf %get3A_96, %mul3A_114 : vector<16xf32>
          %add3A_120 = arith.addf %add3A_118, %mul3A_119 : vector<16xf32>
          %mul3A_121 = arith.mulf %get3A_100, %mul3A_115 : vector<16xf32>
          %add3A_122 = arith.addf %add3A_120, %mul3A_121 : vector<16xf32>
          %mul3A_123 = arith.mulf %get3A_90, %mul3A_112 : vector<16xf32>
          %mul3A_124 = arith.mulf %get3A_94, %mul3A_113 : vector<16xf32>
          %add3A_125 = arith.addf %mul3A_123, %mul3A_124 : vector<16xf32>
          %mul3A_126 = arith.mulf %get3A_98, %mul3A_114 : vector<16xf32>
          %add3A_127 = arith.addf %add3A_125, %mul3A_126 : vector<16xf32>
          %mul3A_128 = arith.mulf %get3A_102, %mul3A_115 : vector<16xf32>
          %add3A_129 = arith.addf %add3A_127, %mul3A_128 : vector<16xf32>
          %add3A_130 = vector.broadcast %mul3A_87 : i32 to vector<16xi32>
          %add3A_131 = arith.addi %add3A_130, %iota3A : vector<16xi32>
          %shift_left3A = arith.constant 5 : i32
          %shift_left3A_132 = vector.broadcast %shift_left3A : i32 to vector<16xi32>
          %shift_left3A_133 = arith.shli %add3A_131, %shift_left3A_132 : vector<16xi32>
          %mul3A_134 = arith.constant 2 : i32
          %mul3A_135 = arith.muli %mul3A_134, %while3A_30 : i32
          %add3A_136 = vector.broadcast %mul3A_135 : i32 to vector<16xi32>
          %add3A_137 = arith.addi %shift_left3A_133, %add3A_136 : vector<16xi32>
          tpu.vector_store_idx %arg23[%add3A_137], %add3A_122 : memref<65536xf32, #tpu.memory_space<vmem>>[vector<16xi32>], vector<16xf32>,
          %add3A_138 = arith.constant 1 : i32
          %add3A_139 = vector.broadcast %add3A_138 : i32 to vector<16xi32>
          %add3A_140 = arith.addi %add3A_137, %add3A_139 : vector<16xi32>
          tpu.vector_store_idx %arg23[%add3A_140], %add3A_129 : memref<65536xf32, #tpu.memory_space<vmem>>[vector<16xi32>], vector<16xf32>,
        }
      }
      %mul3A_28 = arith.constant 32 : i32
      %mul3A_29 = arith.muli %multiple_of3A, %mul3A_28 : i32
      "tpu.region"() ({
        %run_scoped3A = tpu.sem_alloc : memref<!tpu.dma_semaphore, #tpu.memory_space<semaphore_mem>>
        %dma_start3A = tpu.memref_slice %arg6[%mul3A_29] : memref<8388608xf32, #tpu.memory_space<hbm>> -> memref<65536xf32, #tpu.memory_space<hbm>>
        %dma_start3A_30 = tpu.memref_slice %arg6[%mul3A_29] : memref<8388608xf32, #tpu.memory_space<hbm>> -> memref<65536xf32, #tpu.memory_space<hbm>>
        tpu.enqueue_dma source(%arg23 : memref<65536xf32, #tpu.memory_space<vmem>>) target(%dma_start3A_30 : memref<65536xf32, #tpu.memory_space<hbm>>) target_semaphore(%run_scoped3A : memref<!tpu.dma_semaphore, #tpu.memory_space<semaphore_mem>>)
        %dma_wait3A = tpu.memref_slice %arg6[%mul3A_29] : memref<8388608xf32, #tpu.memory_space<hbm>> -> memref<65536xf32, #tpu.memory_space<hbm>>
        %dma_wait3A_31 = tpu.memref_slice %arg6[%mul3A_29] : memref<8388608xf32, #tpu.memory_space<hbm>> -> memref<65536xf32, #tpu.memory_space<hbm>>
        tpu.wait_dma2 semaphore(%run_scoped3A : memref<!tpu.dma_semaphore, #tpu.memory_space<semaphore_mem>>) src(%arg23 : memref<65536xf32, #tpu.memory_space<vmem>>) dst(%dma_wait3A_31 : memref<65536xf32, #tpu.memory_space<hbm>>)
        tpu.yield
      }) : () -> ()
    }
    %while3A_10 = arith.constant 1 : i32
    scf.for %while3A_11 = %while3A_8 to %while3A_4 step %while3A_10  : i32 {
      %mul3A_12 = arith.constant 8192 : i32
      %mul3A_13 = arith.muli %add3A, %mul3A_12 : i32
      %mul3A_14 = arith.constant 2048 : i32
      %mul3A_15 = arith.muli %while3A_11, %mul3A_14 : i32
      %add3A_16 = arith.addi %mul3A_13, %mul3A_15 : i32
      %multiple_of3A = tpu.assume_multiple %add3A_16, 2048 : i32
      "tpu.region"() ({
        %run_scoped3A = tpu.sem_alloc : memref<!tpu.dma_semaphore, #tpu.memory_space<semaphore_mem>>
        %dma_start3A = tpu.memref_slice %arg3[%multiple_of3A] : memref<262144xi32, #tpu.memory_space<hbm>> -> memref<2048xi32, #tpu.memory_space<hbm>>
        %dma_start3A_30 = tpu.memref_slice %arg3[%multiple_of3A] : memref<262144xi32, #tpu.memory_space<hbm>> -> memref<2048xi32, #tpu.memory_space<hbm>>
        tpu.enqueue_dma source(%dma_start3A_30 : memref<2048xi32, #tpu.memory_space<hbm>>) target(%arg28 : memref<2048xi32, #tpu.memory_space<vmem>>) target_semaphore(%run_scoped3A : memref<!tpu.dma_semaphore, #tpu.memory_space<semaphore_mem>>)
        %dma_wait3A = tpu.memref_slice %arg3[%multiple_of3A] : memref<262144xi32, #tpu.memory_space<hbm>> -> memref<2048xi32, #tpu.memory_space<hbm>>
        %dma_wait3A_31 = tpu.memref_slice %arg3[%multiple_of3A] : memref<262144xi32, #tpu.memory_space<hbm>> -> memref<2048xi32, #tpu.memory_space<hbm>>
        tpu.wait_dma2 semaphore(%run_scoped3A : memref<!tpu.dma_semaphore, #tpu.memory_space<semaphore_mem>>) src(%dma_wait3A_31 : memref<2048xi32, #tpu.memory_space<hbm>>) dst(%arg28 : memref<2048xi32, #tpu.memory_space<vmem>>)
        tpu.yield
      }) : () -> ()
      "tpu.region"() ({
        %run_scoped3A = tpu.sem_alloc : memref<!tpu.dma_semaphore, #tpu.memory_space<semaphore_mem>>
        %dma_start3A = tpu.memref_slice %arg4[%multiple_of3A] : memref<262144xi32, #tpu.memory_space<hbm>> -> memref<2048xi32, #tpu.memory_space<hbm>>
        %dma_start3A_30 = tpu.memref_slice %arg4[%multiple_of3A] : memref<262144xi32, #tpu.memory_space<hbm>> -> memref<2048xi32, #tpu.memory_space<hbm>>
        tpu.enqueue_dma source(%dma_start3A_30 : memref<2048xi32, #tpu.memory_space<hbm>>) target(%arg29 : memref<2048xi32, #tpu.memory_space<vmem>>) target_semaphore(%run_scoped3A : memref<!tpu.dma_semaphore, #tpu.memory_space<semaphore_mem>>)
        %dma_wait3A = tpu.memref_slice %arg4[%multiple_of3A] : memref<262144xi32, #tpu.memory_space<hbm>> -> memref<2048xi32, #tpu.memory_space<hbm>>
        %dma_wait3A_31 = tpu.memref_slice %arg4[%multiple_of3A] : memref<262144xi32, #tpu.memory_space<hbm>> -> memref<2048xi32, #tpu.memory_space<hbm>>
        tpu.wait_dma2 semaphore(%run_scoped3A : memref<!tpu.dma_semaphore, #tpu.memory_space<semaphore_mem>>) src(%dma_wait3A_31 : memref<2048xi32, #tpu.memory_space<hbm>>) dst(%arg29 : memref<2048xi32, #tpu.memory_space<vmem>>)
        tpu.yield
      }) : () -> ()
      %while3A_17 = arith.constant 0 : i32
      %while3A_18 = arith.constant 0 : i32
      %while3A_19 = arith.constant 16 : i32
      %while3A_20 = arith.subi %while3A_19, %while3A_18 : i32
      %while3A_21 = arith.addi %while3A_18, %while3A_20 : i32
      %while3A_22 = arith.constant 1 : i32
      %while3A_23 = arith.divsi %while3A_20, %while3A_22 : i32
      %while3A_24 = arith.muli %while3A_23, %while3A_22 : i32
      %while3A_25 = arith.addi %while3A_18, %while3A_24 : i32
      %while3A_26 = arith.constant 1 : i32
      scf.for %while3A_30 = %while3A_18 to %while3A_25 step %while3A_26  : i32 {
        %broadcast_in_dim3A = vector.broadcast %while3A_30 : i32 to vector<16xi32>
        %gather3A = tpu.vector_load_idx %arg24[%broadcast_in_dim3A] : memref<16xi32, #tpu.memory_space<vmem>>[vector<16xi32>], vector<16xi32>,
        %mul3A_31 = arith.constant 1048576 : i32
        %mul3A_32 = arith.muli %while3A_30, %mul3A_31 : i32
        %while3A_33 = arith.constant 0 : i32
        %while3A_34 = arith.constant 0 : i32
        %while3A_35 = arith.constant 128 : i32
        %while3A_36 = arith.subi %while3A_35, %while3A_34 : i32
        %while3A_37 = arith.addi %while3A_34, %while3A_36 : i32
        %while3A_38 = arith.constant 1 : i32
        %while3A_39 = arith.divsi %while3A_36, %while3A_38 : i32
        %while3A_40 = arith.muli %while3A_39, %while3A_38 : i32
        %while3A_41 = arith.addi %while3A_34, %while3A_40 : i32
        %while3A_42 = arith.constant 1 : i32
        scf.for %while3A_85 = %while3A_34 to %while3A_41 step %while3A_42  : i32 {
          %mul3A_86 = arith.constant 16 : i32
          %mul3A_87 = arith.muli %while3A_85, %mul3A_86 : i32
          %get3A = arith.index_cast %mul3A_87 : i32 to index
          %get3A_88 = tpu.vector_load %arg28[%get3A] {strides = array<i32>} : memref<2048xi32, #tpu.memory_space<vmem>>, vector<16xi32>,
          %get3A_89 = arith.index_cast %mul3A_87 : i32 to index
          %get3A_90 = tpu.vector_load %arg29[%get3A_89] {strides = array<i32>} : memref<2048xi32, #tpu.memory_space<vmem>>, vector<16xi32>,
          %mul3A_91 = arith.muli %get3A_88, %gather3A : vector<16xi32>
          %mul3A_92 = arith.muli %get3A_90, %gather3A : vector<16xi32>
          %shift_right_arithmetic3A = arith.constant 9 : i32
          %shift_right_arithmetic3A_93 = vector.broadcast %shift_right_arithmetic3A : i32 to vector<16xi32>
          %shift_right_arithmetic3A_94 = arith.shrsi %mul3A_91, %shift_right_arithmetic3A_93 : vector<16xi32>
          %shift_right_arithmetic3A_95 = arith.constant 9 : i32
          %shift_right_arithmetic3A_96 = vector.broadcast %shift_right_arithmetic3A_95 : i32 to vector<16xi32>
          %shift_right_arithmetic3A_97 = arith.shrsi %mul3A_92, %shift_right_arithmetic3A_96 : vector<16xi32>
          %mul3A_98 = arith.constant -1640531535 : i32
          %mul3A_99 = vector.broadcast %mul3A_98 : i32 to vector<16xi32>
          %mul3A_100 = arith.muli %shift_right_arithmetic3A_97, %mul3A_99 : vector<16xi32>
          %add3A_101 = arith.constant -1640531535 : i32
          %add3A_102 = vector.broadcast %add3A_101 : i32 to vector<16xi32>
          %add3A_103 = arith.addi %mul3A_100, %add3A_102 : vector<16xi32>
          %add3A_104 = arith.constant 1 : i32
          %add3A_105 = vector.broadcast %add3A_104 : i32 to vector<16xi32>
          %add3A_106 = arith.addi %shift_right_arithmetic3A_94, %add3A_105 : vector<16xi32>
          %xor3A = arith.xori %shift_right_arithmetic3A_94, %mul3A_100 : vector<16xi32>
          %and3A = arith.constant 524287 : i32
          %and3A_107 = vector.broadcast %and3A : i32 to vector<16xi32>
          %and3A_108 = arith.andi %xor3A, %and3A_107 : vector<16xi32>
          %shift_left3A = arith.constant 1 : i32
          %shift_left3A_109 = vector.broadcast %shift_left3A : i32 to vector<16xi32>
          %shift_left3A_110 = arith.shli %and3A_108, %shift_left3A_109 : vector<16xi32>
          %add3A_111 = vector.broadcast %mul3A_32 : i32 to vector<16xi32>
          %add3A_112 = arith.addi %shift_left3A_110, %add3A_111 : vector<16xi32>
          %xor3A_113 = arith.xori %shift_right_arithmetic3A_94, %add3A_103 : vector<16xi32>
          %and3A_114 = arith.constant 524287 : i32
          %and3A_115 = vector.broadcast %and3A_114 : i32 to vector<16xi32>
          %and3A_116 = arith.andi %xor3A_113, %and3A_115 : vector<16xi32>
          %shift_left3A_117 = arith.constant 1 : i32
          %shift_left3A_118 = vector.broadcast %shift_left3A_117 : i32 to vector<16xi32>
          %shift_left3A_119 = arith.shli %and3A_116, %shift_left3A_118 : vector<16xi32>
          %add3A_120 = vector.broadcast %mul3A_32 : i32 to vector<16xi32>
          %add3A_121 = arith.addi %shift_left3A_119, %add3A_120 : vector<16xi32>
          %xor3A_122 = arith.xori %add3A_106, %mul3A_100 : vector<16xi32>
          %and3A_123 = arith.constant 524287 : i32
          %and3A_124 = vector.broadcast %and3A_123 : i32 to vector<16xi32>
          %and3A_125 = arith.andi %xor3A_122, %and3A_124 : vector<16xi32>
          %shift_left3A_126 = arith.constant 1 : i32
          %shift_left3A_127 = vector.broadcast %shift_left3A_126 : i32 to vector<16xi32>
          %shift_left3A_128 = arith.shli %and3A_125, %shift_left3A_127 : vector<16xi32>
          %add3A_129 = vector.broadcast %mul3A_32 : i32 to vector<16xi32>
          %add3A_130 = arith.addi %shift_left3A_128, %add3A_129 : vector<16xi32>
          %xor3A_131 = arith.xori %add3A_106, %add3A_103 : vector<16xi32>
          %and3A_132 = arith.constant 524287 : i32
          %and3A_133 = vector.broadcast %and3A_132 : i32 to vector<16xi32>
          %and3A_134 = arith.andi %xor3A_131, %and3A_133 : vector<16xi32>
          %shift_left3A_135 = arith.constant 1 : i32
          %shift_left3A_136 = vector.broadcast %shift_left3A_135 : i32 to vector<16xi32>
          %shift_left3A_137 = arith.shli %and3A_134, %shift_left3A_136 : vector<16xi32>
          %add3A_138 = vector.broadcast %mul3A_32 : i32 to vector<16xi32>
          %add3A_139 = arith.addi %shift_left3A_137, %add3A_138 : vector<16xi32>
          %swap3A = arith.index_cast %mul3A_87 : i32 to index
          %swap3A_140 = tpu.vector_load %arg15[%swap3A] {strides = array<i32>} : memref<2048xi32, #tpu.memory_space<vmem>>, vector<16xi32>,
          tpu.vector_store %arg15[%swap3A], %add3A_112 {strides = array<i32>} : memref<2048xi32, #tpu.memory_space<vmem>>, vector<16xi32>,
          %add3A_141 = arith.constant 1 : i32
          %add3A_142 = vector.broadcast %add3A_141 : i32 to vector<16xi32>
          %add3A_143 = arith.addi %add3A_112, %add3A_142 : vector<16xi32>
          %swap3A_144 = arith.index_cast %mul3A_87 : i32 to index
          %swap3A_145 = tpu.vector_load %arg16[%swap3A_144] {strides = array<i32>} : memref<2048xi32, #tpu.memory_space<vmem>>, vector<16xi32>,
          tpu.vector_store %arg16[%swap3A_144], %add3A_143 {strides = array<i32>} : memref<2048xi32, #tpu.memory_space<vmem>>, vector<16xi32>,
          %swap3A_146 = arith.index_cast %mul3A_87 : i32 to index
          %swap3A_147 = tpu.vector_load %arg17[%swap3A_146] {strides = array<i32>} : memref<2048xi32, #tpu.memory_space<vmem>>, vector<16xi32>,
          tpu.vector_store %arg17[%swap3A_146], %add3A_121 {strides = array<i32>} : memref<2048xi32, #tpu.memory_space<vmem>>, vector<16xi32>,
          %add3A_148 = arith.constant 1 : i32
          %add3A_149 = vector.broadcast %add3A_148 : i32 to vector<16xi32>
          %add3A_150 = arith.addi %add3A_121, %add3A_149 : vector<16xi32>
          %swap3A_151 = arith.index_cast %mul3A_87 : i32 to index
          %swap3A_152 = tpu.vector_load %arg18[%swap3A_151] {strides = array<i32>} : memref<2048xi32, #tpu.memory_space<vmem>>, vector<16xi32>,
          tpu.vector_store %arg18[%swap3A_151], %add3A_150 {strides = array<i32>} : memref<2048xi32, #tpu.memory_space<vmem>>, vector<16xi32>,
          %swap3A_153 = arith.index_cast %mul3A_87 : i32 to index
          %swap3A_154 = tpu.vector_load %arg19[%swap3A_153] {strides = array<i32>} : memref<2048xi32, #tpu.memory_space<vmem>>, vector<16xi32>,
          tpu.vector_store %arg19[%swap3A_153], %add3A_130 {strides = array<i32>} : memref<2048xi32, #tpu.memory_space<vmem>>, vector<16xi32>,
          %add3A_155 = arith.constant 1 : i32
          %add3A_156 = vector.broadcast %add3A_155 : i32 to vector<16xi32>
          %add3A_157 = arith.addi %add3A_130, %add3A_156 : vector<16xi32>
          %swap3A_158 = arith.index_cast %mul3A_87 : i32 to index
          %swap3A_159 = tpu.vector_load %arg20[%swap3A_158] {strides = array<i32>} : memref<2048xi32, #tpu.memory_space<vmem>>, vector<16xi32>,
          tpu.vector_store %arg20[%swap3A_158], %add3A_157 {strides = array<i32>} : memref<2048xi32, #tpu.memory_space<vmem>>, vector<16xi32>,
          %swap3A_160 = arith.index_cast %mul3A_87 : i32 to index
          %swap3A_161 = tpu.vector_load %arg21[%swap3A_160] {strides = array<i32>} : memref<2048xi32, #tpu.memory_space<vmem>>, vector<16xi32>,
          tpu.vector_store %arg21[%swap3A_160], %add3A_139 {strides = array<i32>} : memref<2048xi32, #tpu.memory_space<vmem>>, vector<16xi32>,
          %add3A_162 = arith.constant 1 : i32
          %add3A_163 = vector.broadcast %add3A_162 : i32 to vector<16xi32>
          %add3A_164 = arith.addi %add3A_139, %add3A_163 : vector<16xi32>
          %swap3A_165 = arith.index_cast %mul3A_87 : i32 to index
          %swap3A_166 = tpu.vector_load %arg22[%swap3A_165] {strides = array<i32>} : memref<2048xi32, #tpu.memory_space<vmem>>, vector<16xi32>,
          tpu.vector_store %arg22[%swap3A_165], %add3A_164 {strides = array<i32>} : memref<2048xi32, #tpu.memory_space<vmem>>, vector<16xi32>,
          %and3A_167 = arith.constant 511 : i32
          %and3A_168 = vector.broadcast %and3A_167 : i32 to vector<16xi32>
          %and3A_169 = arith.andi %mul3A_91, %and3A_168 : vector<16xi32>
          %convert_element_type3A = arith.sitofp %and3A_169 : vector<16xi32> to vector<16xf32>
          %mul3A_170 = arith.constant 0.001953125 : f32
          %mul3A_171 = vector.broadcast %mul3A_170 : f32 to vector<16xf32>
          %mul3A_172 = arith.mulf %convert_element_type3A, %mul3A_171 : vector<16xf32>
          %swap3A_173 = arith.index_cast %mul3A_87 : i32 to index
          %swap3A_174 = tpu.vector_load %arg26[%swap3A_173] {strides = array<i32>} : memref<2048xf32, #tpu.memory_space<vmem>>, vector<16xf32>,
          tpu.vector_store %arg26[%swap3A_173], %mul3A_172 {strides = array<i32>} : memref<2048xf32, #tpu.memory_space<vmem>>, vector<16xf32>,
          %and3A_175 = arith.constant 511 : i32
          %and3A_176 = vector.broadcast %and3A_175 : i32 to vector<16xi32>
          %and3A_177 = arith.andi %mul3A_92, %and3A_176 : vector<16xi32>
          %convert_element_type3A_178 = arith.sitofp %and3A_177 : vector<16xi32> to vector<16xf32>
          %mul3A_179 = arith.constant 0.001953125 : f32
          %mul3A_180 = vector.broadcast %mul3A_179 : f32 to vector<16xf32>
          %mul3A_181 = arith.mulf %convert_element_type3A_178, %mul3A_180 : vector<16xf32>
          %swap3A_182 = arith.index_cast %mul3A_87 : i32 to index
          %swap3A_183 = tpu.vector_load %arg27[%swap3A_182] {strides = array<i32>} : memref<2048xf32, #tpu.memory_space<vmem>>, vector<16xf32>,
          tpu.vector_store %arg27[%swap3A_182], %mul3A_181 {strides = array<i32>} : memref<2048xf32, #tpu.memory_space<vmem>>, vector<16xf32>,
        }
        %while3A_43 = arith.constant 1 : i32
        scf.for %while3A_85 = %while3A_41 to %while3A_37 step %while3A_43  : i32 {
          %mul3A_86 = arith.constant 16 : i32
          %mul3A_87 = arith.muli %while3A_85, %mul3A_86 : i32
          %get3A = arith.index_cast %mul3A_87 : i32 to index
          %get3A_88 = tpu.vector_load %arg28[%get3A] {strides = array<i32>} : memref<2048xi32, #tpu.memory_space<vmem>>, vector<16xi32>,
          %get3A_89 = arith.index_cast %mul3A_87 : i32 to index
          %get3A_90 = tpu.vector_load %arg29[%get3A_89] {strides = array<i32>} : memref<2048xi32, #tpu.memory_space<vmem>>, vector<16xi32>,
          %mul3A_91 = arith.muli %get3A_88, %gather3A : vector<16xi32>
          %mul3A_92 = arith.muli %get3A_90, %gather3A : vector<16xi32>
          %shift_right_arithmetic3A = arith.constant 9 : i32
          %shift_right_arithmetic3A_93 = vector.broadcast %shift_right_arithmetic3A : i32 to vector<16xi32>
          %shift_right_arithmetic3A_94 = arith.shrsi %mul3A_91, %shift_right_arithmetic3A_93 : vector<16xi32>
          %shift_right_arithmetic3A_95 = arith.constant 9 : i32
          %shift_right_arithmetic3A_96 = vector.broadcast %shift_right_arithmetic3A_95 : i32 to vector<16xi32>
          %shift_right_arithmetic3A_97 = arith.shrsi %mul3A_92, %shift_right_arithmetic3A_96 : vector<16xi32>
          %mul3A_98 = arith.constant -1640531535 : i32
          %mul3A_99 = vector.broadcast %mul3A_98 : i32 to vector<16xi32>
          %mul3A_100 = arith.muli %shift_right_arithmetic3A_97, %mul3A_99 : vector<16xi32>
          %add3A_101 = arith.constant -1640531535 : i32
          %add3A_102 = vector.broadcast %add3A_101 : i32 to vector<16xi32>
          %add3A_103 = arith.addi %mul3A_100, %add3A_102 : vector<16xi32>
          %add3A_104 = arith.constant 1 : i32
          %add3A_105 = vector.broadcast %add3A_104 : i32 to vector<16xi32>
          %add3A_106 = arith.addi %shift_right_arithmetic3A_94, %add3A_105 : vector<16xi32>
          %xor3A = arith.xori %shift_right_arithmetic3A_94, %mul3A_100 : vector<16xi32>
          %and3A = arith.constant 524287 : i32
          %and3A_107 = vector.broadcast %and3A : i32 to vector<16xi32>
          %and3A_108 = arith.andi %xor3A, %and3A_107 : vector<16xi32>
          %shift_left3A = arith.constant 1 : i32
          %shift_left3A_109 = vector.broadcast %shift_left3A : i32 to vector<16xi32>
          %shift_left3A_110 = arith.shli %and3A_108, %shift_left3A_109 : vector<16xi32>
          %add3A_111 = vector.broadcast %mul3A_32 : i32 to vector<16xi32>
          %add3A_112 = arith.addi %shift_left3A_110, %add3A_111 : vector<16xi32>
          %xor3A_113 = arith.xori %shift_right_arithmetic3A_94, %add3A_103 : vector<16xi32>
          %and3A_114 = arith.constant 524287 : i32
          %and3A_115 = vector.broadcast %and3A_114 : i32 to vector<16xi32>
          %and3A_116 = arith.andi %xor3A_113, %and3A_115 : vector<16xi32>
          %shift_left3A_117 = arith.constant 1 : i32
          %shift_left3A_118 = vector.broadcast %shift_left3A_117 : i32 to vector<16xi32>
          %shift_left3A_119 = arith.shli %and3A_116, %shift_left3A_118 : vector<16xi32>
          %add3A_120 = vector.broadcast %mul3A_32 : i32 to vector<16xi32>
          %add3A_121 = arith.addi %shift_left3A_119, %add3A_120 : vector<16xi32>
          %xor3A_122 = arith.xori %add3A_106, %mul3A_100 : vector<16xi32>
          %and3A_123 = arith.constant 524287 : i32
          %and3A_124 = vector.broadcast %and3A_123 : i32 to vector<16xi32>
          %and3A_125 = arith.andi %xor3A_122, %and3A_124 : vector<16xi32>
          %shift_left3A_126 = arith.constant 1 : i32
          %shift_left3A_127 = vector.broadcast %shift_left3A_126 : i32 to vector<16xi32>
          %shift_left3A_128 = arith.shli %and3A_125, %shift_left3A_127 : vector<16xi32>
          %add3A_129 = vector.broadcast %mul3A_32 : i32 to vector<16xi32>
          %add3A_130 = arith.addi %shift_left3A_128, %add3A_129 : vector<16xi32>
          %xor3A_131 = arith.xori %add3A_106, %add3A_103 : vector<16xi32>
          %and3A_132 = arith.constant 524287 : i32
          %and3A_133 = vector.broadcast %and3A_132 : i32 to vector<16xi32>
          %and3A_134 = arith.andi %xor3A_131, %and3A_133 : vector<16xi32>
          %shift_left3A_135 = arith.constant 1 : i32
          %shift_left3A_136 = vector.broadcast %shift_left3A_135 : i32 to vector<16xi32>
          %shift_left3A_137 = arith.shli %and3A_134, %shift_left3A_136 : vector<16xi32>
          %add3A_138 = vector.broadcast %mul3A_32 : i32 to vector<16xi32>
          %add3A_139 = arith.addi %shift_left3A_137, %add3A_138 : vector<16xi32>
          %swap3A = arith.index_cast %mul3A_87 : i32 to index
          %swap3A_140 = tpu.vector_load %arg15[%swap3A] {strides = array<i32>} : memref<2048xi32, #tpu.memory_space<vmem>>, vector<16xi32>,
          tpu.vector_store %arg15[%swap3A], %add3A_112 {strides = array<i32>} : memref<2048xi32, #tpu.memory_space<vmem>>, vector<16xi32>,
          %add3A_141 = arith.constant 1 : i32
          %add3A_142 = vector.broadcast %add3A_141 : i32 to vector<16xi32>
          %add3A_143 = arith.addi %add3A_112, %add3A_142 : vector<16xi32>
          %swap3A_144 = arith.index_cast %mul3A_87 : i32 to index
          %swap3A_145 = tpu.vector_load %arg16[%swap3A_144] {strides = array<i32>} : memref<2048xi32, #tpu.memory_space<vmem>>, vector<16xi32>,
          tpu.vector_store %arg16[%swap3A_144], %add3A_143 {strides = array<i32>} : memref<2048xi32, #tpu.memory_space<vmem>>, vector<16xi32>,
          %swap3A_146 = arith.index_cast %mul3A_87 : i32 to index
          %swap3A_147 = tpu.vector_load %arg17[%swap3A_146] {strides = array<i32>} : memref<2048xi32, #tpu.memory_space<vmem>>, vector<16xi32>,
          tpu.vector_store %arg17[%swap3A_146], %add3A_121 {strides = array<i32>} : memref<2048xi32, #tpu.memory_space<vmem>>, vector<16xi32>,
          %add3A_148 = arith.constant 1 : i32
          %add3A_149 = vector.broadcast %add3A_148 : i32 to vector<16xi32>
          %add3A_150 = arith.addi %add3A_121, %add3A_149 : vector<16xi32>
          %swap3A_151 = arith.index_cast %mul3A_87 : i32 to index
          %swap3A_152 = tpu.vector_load %arg18[%swap3A_151] {strides = array<i32>} : memref<2048xi32, #tpu.memory_space<vmem>>, vector<16xi32>,
          tpu.vector_store %arg18[%swap3A_151], %add3A_150 {strides = array<i32>} : memref<2048xi32, #tpu.memory_space<vmem>>, vector<16xi32>,
          %swap3A_153 = arith.index_cast %mul3A_87 : i32 to index
          %swap3A_154 = tpu.vector_load %arg19[%swap3A_153] {strides = array<i32>} : memref<2048xi32, #tpu.memory_space<vmem>>, vector<16xi32>,
          tpu.vector_store %arg19[%swap3A_153], %add3A_130 {strides = array<i32>} : memref<2048xi32, #tpu.memory_space<vmem>>, vector<16xi32>,
          %add3A_155 = arith.constant 1 : i32
          %add3A_156 = vector.broadcast %add3A_155 : i32 to vector<16xi32>
          %add3A_157 = arith.addi %add3A_130, %add3A_156 : vector<16xi32>
          %swap3A_158 = arith.index_cast %mul3A_87 : i32 to index
          %swap3A_159 = tpu.vector_load %arg20[%swap3A_158] {strides = array<i32>} : memref<2048xi32, #tpu.memory_space<vmem>>, vector<16xi32>,
          tpu.vector_store %arg20[%swap3A_158], %add3A_157 {strides = array<i32>} : memref<2048xi32, #tpu.memory_space<vmem>>, vector<16xi32>,
          %swap3A_160 = arith.index_cast %mul3A_87 : i32 to index
          %swap3A_161 = tpu.vector_load %arg21[%swap3A_160] {strides = array<i32>} : memref<2048xi32, #tpu.memory_space<vmem>>, vector<16xi32>,
          tpu.vector_store %arg21[%swap3A_160], %add3A_139 {strides = array<i32>} : memref<2048xi32, #tpu.memory_space<vmem>>, vector<16xi32>,
          %add3A_162 = arith.constant 1 : i32
          %add3A_163 = vector.broadcast %add3A_162 : i32 to vector<16xi32>
          %add3A_164 = arith.addi %add3A_139, %add3A_163 : vector<16xi32>
          %swap3A_165 = arith.index_cast %mul3A_87 : i32 to index
          %swap3A_166 = tpu.vector_load %arg22[%swap3A_165] {strides = array<i32>} : memref<2048xi32, #tpu.memory_space<vmem>>, vector<16xi32>,
          tpu.vector_store %arg22[%swap3A_165], %add3A_164 {strides = array<i32>} : memref<2048xi32, #tpu.memory_space<vmem>>, vector<16xi32>,
          %and3A_167 = arith.constant 511 : i32
          %and3A_168 = vector.broadcast %and3A_167 : i32 to vector<16xi32>
          %and3A_169 = arith.andi %mul3A_91, %and3A_168 : vector<16xi32>
          %convert_element_type3A = arith.sitofp %and3A_169 : vector<16xi32> to vector<16xf32>
          %mul3A_170 = arith.constant 0.001953125 : f32
          %mul3A_171 = vector.broadcast %mul3A_170 : f32 to vector<16xf32>
          %mul3A_172 = arith.mulf %convert_element_type3A, %mul3A_171 : vector<16xf32>
          %swap3A_173 = arith.index_cast %mul3A_87 : i32 to index
          %swap3A_174 = tpu.vector_load %arg26[%swap3A_173] {strides = array<i32>} : memref<2048xf32, #tpu.memory_space<vmem>>, vector<16xf32>,
          tpu.vector_store %arg26[%swap3A_173], %mul3A_172 {strides = array<i32>} : memref<2048xf32, #tpu.memory_space<vmem>>, vector<16xf32>,
          %and3A_175 = arith.constant 511 : i32
          %and3A_176 = vector.broadcast %and3A_175 : i32 to vector<16xi32>
          %and3A_177 = arith.andi %mul3A_92, %and3A_176 : vector<16xi32>
          %convert_element_type3A_178 = arith.sitofp %and3A_177 : vector<16xi32> to vector<16xf32>
          %mul3A_179 = arith.constant 0.001953125 : f32
          %mul3A_180 = vector.broadcast %mul3A_179 : f32 to vector<16xf32>
          %mul3A_181 = arith.mulf %convert_element_type3A_178, %mul3A_180 : vector<16xf32>
          %swap3A_182 = arith.index_cast %mul3A_87 : i32 to index
          %swap3A_183 = tpu.vector_load %arg27[%swap3A_182] {strides = array<i32>} : memref<2048xf32, #tpu.memory_space<vmem>>, vector<16xf32>,
          tpu.vector_store %arg27[%swap3A_182], %mul3A_181 {strides = array<i32>} : memref<2048xf32, #tpu.memory_space<vmem>>, vector<16xf32>,
        }
        %dma_start3A = arith.constant 0 : i32
        %dma_start3A_44 = tpu.memref_slice %arg2[%dma_start3A] : memref<16777216xf32, #tpu.memory_space<hbm>> -> memref<16777216xf32, #tpu.memory_space<hbm>>
        tpu.enqueue_indirect_dma source(%dma_start3A_44 : memref<16777216xf32, #tpu.memory_space<hbm>>) target(%arg7 : memref<2048xf32, #tpu.memory_space<vmem>>) offsets(%arg15 : memref<2048xi32, #tpu.memory_space<vmem>>) semaphore(%arg25 : memref<!tpu.dma_semaphore, #tpu.memory_space<semaphore_mem>>)
        %dma_start3A_45 = arith.constant 0 : i32
        %dma_start3A_46 = tpu.memref_slice %arg2[%dma_start3A_45] : memref<16777216xf32, #tpu.memory_space<hbm>> -> memref<16777216xf32, #tpu.memory_space<hbm>>
        tpu.enqueue_indirect_dma source(%dma_start3A_46 : memref<16777216xf32, #tpu.memory_space<hbm>>) target(%arg8 : memref<2048xf32, #tpu.memory_space<vmem>>) offsets(%arg16 : memref<2048xi32, #tpu.memory_space<vmem>>) semaphore(%arg25 : memref<!tpu.dma_semaphore, #tpu.memory_space<semaphore_mem>>)
        %dma_start3A_47 = arith.constant 0 : i32
        %dma_start3A_48 = tpu.memref_slice %arg2[%dma_start3A_47] : memref<16777216xf32, #tpu.memory_space<hbm>> -> memref<16777216xf32, #tpu.memory_space<hbm>>
        tpu.enqueue_indirect_dma source(%dma_start3A_48 : memref<16777216xf32, #tpu.memory_space<hbm>>) target(%arg9 : memref<2048xf32, #tpu.memory_space<vmem>>) offsets(%arg17 : memref<2048xi32, #tpu.memory_space<vmem>>) semaphore(%arg25 : memref<!tpu.dma_semaphore, #tpu.memory_space<semaphore_mem>>)
        %dma_start3A_49 = arith.constant 0 : i32
        %dma_start3A_50 = tpu.memref_slice %arg2[%dma_start3A_49] : memref<16777216xf32, #tpu.memory_space<hbm>> -> memref<16777216xf32, #tpu.memory_space<hbm>>
        tpu.enqueue_indirect_dma source(%dma_start3A_50 : memref<16777216xf32, #tpu.memory_space<hbm>>) target(%arg10 : memref<2048xf32, #tpu.memory_space<vmem>>) offsets(%arg18 : memref<2048xi32, #tpu.memory_space<vmem>>) semaphore(%arg25 : memref<!tpu.dma_semaphore, #tpu.memory_space<semaphore_mem>>)
        %dma_start3A_51 = arith.constant 0 : i32
        %dma_start3A_52 = tpu.memref_slice %arg2[%dma_start3A_51] : memref<16777216xf32, #tpu.memory_space<hbm>> -> memref<16777216xf32, #tpu.memory_space<hbm>>
        tpu.enqueue_indirect_dma source(%dma_start3A_52 : memref<16777216xf32, #tpu.memory_space<hbm>>) target(%arg11 : memref<2048xf32, #tpu.memory_space<vmem>>) offsets(%arg19 : memref<2048xi32, #tpu.memory_space<vmem>>) semaphore(%arg25 : memref<!tpu.dma_semaphore, #tpu.memory_space<semaphore_mem>>)
        %dma_start3A_53 = arith.constant 0 : i32
        %dma_start3A_54 = tpu.memref_slice %arg2[%dma_start3A_53] : memref<16777216xf32, #tpu.memory_space<hbm>> -> memref<16777216xf32, #tpu.memory_space<hbm>>
        tpu.enqueue_indirect_dma source(%dma_start3A_54 : memref<16777216xf32, #tpu.memory_space<hbm>>) target(%arg12 : memref<2048xf32, #tpu.memory_space<vmem>>) offsets(%arg20 : memref<2048xi32, #tpu.memory_space<vmem>>) semaphore(%arg25 : memref<!tpu.dma_semaphore, #tpu.memory_space<semaphore_mem>>)
        %dma_start3A_55 = arith.constant 0 : i32
        %dma_start3A_56 = tpu.memref_slice %arg2[%dma_start3A_55] : memref<16777216xf32, #tpu.memory_space<hbm>> -> memref<16777216xf32, #tpu.memory_space<hbm>>
        tpu.enqueue_indirect_dma source(%dma_start3A_56 : memref<16777216xf32, #tpu.memory_space<hbm>>) target(%arg13 : memref<2048xf32, #tpu.memory_space<vmem>>) offsets(%arg21 : memref<2048xi32, #tpu.memory_space<vmem>>) semaphore(%arg25 : memref<!tpu.dma_semaphore, #tpu.memory_space<semaphore_mem>>)
        %dma_start3A_57 = arith.constant 0 : i32
        %dma_start3A_58 = tpu.memref_slice %arg2[%dma_start3A_57] : memref<16777216xf32, #tpu.memory_space<hbm>> -> memref<16777216xf32, #tpu.memory_space<hbm>>
        tpu.enqueue_indirect_dma source(%dma_start3A_58 : memref<16777216xf32, #tpu.memory_space<hbm>>) target(%arg14 : memref<2048xf32, #tpu.memory_space<vmem>>) offsets(%arg22 : memref<2048xi32, #tpu.memory_space<vmem>>) semaphore(%arg25 : memref<!tpu.dma_semaphore, #tpu.memory_space<semaphore_mem>>)
        %dma_wait3A = arith.constant 0 : i32
        %dma_wait3A_59 = tpu.memref_slice %arg2[%dma_wait3A] : memref<16777216xf32, #tpu.memory_space<hbm>> -> memref<16777216xf32, #tpu.memory_space<hbm>>
        tpu.wait_indirect_dma semaphore(%arg25 : memref<!tpu.dma_semaphore, #tpu.memory_space<semaphore_mem>>) src(%dma_wait3A_59 : memref<16777216xf32, #tpu.memory_space<hbm>>) dst(%arg7 : memref<2048xf32, #tpu.memory_space<vmem>>)
        %dma_wait3A_60 = arith.constant 0 : i32
        %dma_wait3A_61 = tpu.memref_slice %arg2[%dma_wait3A_60] : memref<16777216xf32, #tpu.memory_space<hbm>> -> memref<16777216xf32, #tpu.memory_space<hbm>>
        tpu.wait_indirect_dma semaphore(%arg25 : memref<!tpu.dma_semaphore, #tpu.memory_space<semaphore_mem>>) src(%dma_wait3A_61 : memref<16777216xf32, #tpu.memory_space<hbm>>) dst(%arg8 : memref<2048xf32, #tpu.memory_space<vmem>>)
        %dma_wait3A_62 = arith.constant 0 : i32
        %dma_wait3A_63 = tpu.memref_slice %arg2[%dma_wait3A_62] : memref<16777216xf32, #tpu.memory_space<hbm>> -> memref<16777216xf32, #tpu.memory_space<hbm>>
        tpu.wait_indirect_dma semaphore(%arg25 : memref<!tpu.dma_semaphore, #tpu.memory_space<semaphore_mem>>) src(%dma_wait3A_63 : memref<16777216xf32, #tpu.memory_space<hbm>>) dst(%arg9 : memref<2048xf32, #tpu.memory_space<vmem>>)
        %dma_wait3A_64 = arith.constant 0 : i32
        %dma_wait3A_65 = tpu.memref_slice %arg2[%dma_wait3A_64] : memref<16777216xf32, #tpu.memory_space<hbm>> -> memref<16777216xf32, #tpu.memory_space<hbm>>
        tpu.wait_indirect_dma semaphore(%arg25 : memref<!tpu.dma_semaphore, #tpu.memory_space<semaphore_mem>>) src(%dma_wait3A_65 : memref<16777216xf32, #tpu.memory_space<hbm>>) dst(%arg10 : memref<2048xf32, #tpu.memory_space<vmem>>)
        %dma_wait3A_66 = arith.constant 0 : i32
        %dma_wait3A_67 = tpu.memref_slice %arg2[%dma_wait3A_66] : memref<16777216xf32, #tpu.memory_space<hbm>> -> memref<16777216xf32, #tpu.memory_space<hbm>>
        tpu.wait_indirect_dma semaphore(%arg25 : memref<!tpu.dma_semaphore, #tpu.memory_space<semaphore_mem>>) src(%dma_wait3A_67 : memref<16777216xf32, #tpu.memory_space<hbm>>) dst(%arg11 : memref<2048xf32, #tpu.memory_space<vmem>>)
        %dma_wait3A_68 = arith.constant 0 : i32
        %dma_wait3A_69 = tpu.memref_slice %arg2[%dma_wait3A_68] : memref<16777216xf32, #tpu.memory_space<hbm>> -> memref<16777216xf32, #tpu.memory_space<hbm>>
        tpu.wait_indirect_dma semaphore(%arg25 : memref<!tpu.dma_semaphore, #tpu.memory_space<semaphore_mem>>) src(%dma_wait3A_69 : memref<16777216xf32, #tpu.memory_space<hbm>>) dst(%arg12 : memref<2048xf32, #tpu.memory_space<vmem>>)
        %dma_wait3A_70 = arith.constant 0 : i32
        %dma_wait3A_71 = tpu.memref_slice %arg2[%dma_wait3A_70] : memref<16777216xf32, #tpu.memory_space<hbm>> -> memref<16777216xf32, #tpu.memory_space<hbm>>
        tpu.wait_indirect_dma semaphore(%arg25 : memref<!tpu.dma_semaphore, #tpu.memory_space<semaphore_mem>>) src(%dma_wait3A_71 : memref<16777216xf32, #tpu.memory_space<hbm>>) dst(%arg13 : memref<2048xf32, #tpu.memory_space<vmem>>)
        %dma_wait3A_72 = arith.constant 0 : i32
        %dma_wait3A_73 = tpu.memref_slice %arg2[%dma_wait3A_72] : memref<16777216xf32, #tpu.memory_space<hbm>> -> memref<16777216xf32, #tpu.memory_space<hbm>>
        tpu.wait_indirect_dma semaphore(%arg25 : memref<!tpu.dma_semaphore, #tpu.memory_space<semaphore_mem>>) src(%dma_wait3A_73 : memref<16777216xf32, #tpu.memory_space<hbm>>) dst(%arg14 : memref<2048xf32, #tpu.memory_space<vmem>>)
        %while3A_74 = arith.constant 0 : i32
        %while3A_75 = arith.constant 0 : i32
        %while3A_76 = arith.constant 128 : i32
        %while3A_77 = arith.subi %while3A_76, %while3A_75 : i32
        %while3A_78 = arith.addi %while3A_75, %while3A_77 : i32
        %while3A_79 = arith.constant 1 : i32
        %while3A_80 = arith.divsi %while3A_77, %while3A_79 : i32
        %while3A_81 = arith.muli %while3A_80, %while3A_79 : i32
        %while3A_82 = arith.addi %while3A_75, %while3A_81 : i32
        %while3A_83 = arith.constant 1 : i32
        scf.for %while3A_85 = %while3A_75 to %while3A_82 step %while3A_83  : i32 {
          %mul3A_86 = arith.constant 16 : i32
          %mul3A_87 = arith.muli %while3A_85, %mul3A_86 : i32
          %get3A = arith.index_cast %mul3A_87 : i32 to index
          %get3A_88 = tpu.vector_load %arg7[%get3A] {strides = array<i32>} : memref<2048xf32, #tpu.memory_space<vmem>>, vector<16xf32>,
          %get3A_89 = arith.index_cast %mul3A_87 : i32 to index
          %get3A_90 = tpu.vector_load %arg8[%get3A_89] {strides = array<i32>} : memref<2048xf32, #tpu.memory_space<vmem>>, vector<16xf32>,
          %get3A_91 = arith.index_cast %mul3A_87 : i32 to index
          %get3A_92 = tpu.vector_load %arg9[%get3A_91] {strides = array<i32>} : memref<2048xf32, #tpu.memory_space<vmem>>, vector<16xf32>,
          %get3A_93 = arith.index_cast %mul3A_87 : i32 to index
          %get3A_94 = tpu.vector_load %arg10[%get3A_93] {strides = array<i32>} : memref<2048xf32, #tpu.memory_space<vmem>>, vector<16xf32>,
          %get3A_95 = arith.index_cast %mul3A_87 : i32 to index
          %get3A_96 = tpu.vector_load %arg11[%get3A_95] {strides = array<i32>} : memref<2048xf32, #tpu.memory_space<vmem>>, vector<16xf32>,
          %get3A_97 = arith.index_cast %mul3A_87 : i32 to index
          %get3A_98 = tpu.vector_load %arg12[%get3A_97] {strides = array<i32>} : memref<2048xf32, #tpu.memory_space<vmem>>, vector<16xf32>,
          %get3A_99 = arith.index_cast %mul3A_87 : i32 to index
          %get3A_100 = tpu.vector_load %arg13[%get3A_99] {strides = array<i32>} : memref<2048xf32, #tpu.memory_space<vmem>>, vector<16xf32>,
          %get3A_101 = arith.index_cast %mul3A_87 : i32 to index
          %get3A_102 = tpu.vector_load %arg14[%get3A_101] {strides = array<i32>} : memref<2048xf32, #tpu.memory_space<vmem>>, vector<16xf32>,
          %get3A_103 = arith.index_cast %mul3A_87 : i32 to index
          %get3A_104 = tpu.vector_load %arg26[%get3A_103] {strides = array<i32>} : memref<2048xf32, #tpu.memory_space<vmem>>, vector<16xf32>,
          %get3A_105 = arith.index_cast %mul3A_87 : i32 to index
          %get3A_106 = tpu.vector_load %arg27[%get3A_105] {strides = array<i32>} : memref<2048xf32, #tpu.memory_space<vmem>>, vector<16xf32>,
          %sub3A = arith.constant 1.000000e+00 : f32
          %sub3A_107 = vector.broadcast %sub3A : f32 to vector<16xf32>
          %sub3A_108 = arith.subf %sub3A_107, %get3A_104 : vector<16xf32>
          %sub3A_109 = arith.constant 1.000000e+00 : f32
          %sub3A_110 = vector.broadcast %sub3A_109 : f32 to vector<16xf32>
          %sub3A_111 = arith.subf %sub3A_110, %get3A_106 : vector<16xf32>
          %mul3A_112 = arith.mulf %sub3A_111, %sub3A_108 : vector<16xf32>
          %mul3A_113 = arith.mulf %get3A_106, %sub3A_108 : vector<16xf32>
          %mul3A_114 = arith.mulf %sub3A_111, %get3A_104 : vector<16xf32>
          %mul3A_115 = arith.mulf %get3A_106, %get3A_104 : vector<16xf32>
          %mul3A_116 = arith.mulf %get3A_88, %mul3A_112 : vector<16xf32>
          %mul3A_117 = arith.mulf %get3A_92, %mul3A_113 : vector<16xf32>
          %add3A_118 = arith.addf %mul3A_116, %mul3A_117 : vector<16xf32>
          %mul3A_119 = arith.mulf %get3A_96, %mul3A_114 : vector<16xf32>
          %add3A_120 = arith.addf %add3A_118, %mul3A_119 : vector<16xf32>
          %mul3A_121 = arith.mulf %get3A_100, %mul3A_115 : vector<16xf32>
          %add3A_122 = arith.addf %add3A_120, %mul3A_121 : vector<16xf32>
          %mul3A_123 = arith.mulf %get3A_90, %mul3A_112 : vector<16xf32>
          %mul3A_124 = arith.mulf %get3A_94, %mul3A_113 : vector<16xf32>
          %add3A_125 = arith.addf %mul3A_123, %mul3A_124 : vector<16xf32>
          %mul3A_126 = arith.mulf %get3A_98, %mul3A_114 : vector<16xf32>
          %add3A_127 = arith.addf %add3A_125, %mul3A_126 : vector<16xf32>
          %mul3A_128 = arith.mulf %get3A_102, %mul3A_115 : vector<16xf32>
          %add3A_129 = arith.addf %add3A_127, %mul3A_128 : vector<16xf32>
          %add3A_130 = vector.broadcast %mul3A_87 : i32 to vector<16xi32>
          %add3A_131 = arith.addi %add3A_130, %iota3A : vector<16xi32>
          %shift_left3A = arith.constant 5 : i32
          %shift_left3A_132 = vector.broadcast %shift_left3A : i32 to vector<16xi32>
          %shift_left3A_133 = arith.shli %add3A_131, %shift_left3A_132 : vector<16xi32>
          %mul3A_134 = arith.constant 2 : i32
          %mul3A_135 = arith.muli %mul3A_134, %while3A_30 : i32
          %add3A_136 = vector.broadcast %mul3A_135 : i32 to vector<16xi32>
          %add3A_137 = arith.addi %shift_left3A_133, %add3A_136 : vector<16xi32>
          tpu.vector_store_idx %arg23[%add3A_137], %add3A_122 : memref<65536xf32, #tpu.memory_space<vmem>>[vector<16xi32>], vector<16xf32>,
          %add3A_138 = arith.constant 1 : i32
          %add3A_139 = vector.broadcast %add3A_138 : i32 to vector<16xi32>
          %add3A_140 = arith.addi %add3A_137, %add3A_139 : vector<16xi32>
          tpu.vector_store_idx %arg23[%add3A_140], %add3A_129 : memref<65536xf32, #tpu.memory_space<vmem>>[vector<16xi32>], vector<16xf32>,
        }
        %while3A_84 = arith.constant 1 : i32
        scf.for %while3A_85 = %while3A_82 to %while3A_78 step %while3A_84  : i32 {
          %mul3A_86 = arith.constant 16 : i32
          %mul3A_87 = arith.muli %while3A_85, %mul3A_86 : i32
          %get3A = arith.index_cast %mul3A_87 : i32 to index
          %get3A_88 = tpu.vector_load %arg7[%get3A] {strides = array<i32>} : memref<2048xf32, #tpu.memory_space<vmem>>, vector<16xf32>,
          %get3A_89 = arith.index_cast %mul3A_87 : i32 to index
          %get3A_90 = tpu.vector_load %arg8[%get3A_89] {strides = array<i32>} : memref<2048xf32, #tpu.memory_space<vmem>>, vector<16xf32>,
          %get3A_91 = arith.index_cast %mul3A_87 : i32 to index
          %get3A_92 = tpu.vector_load %arg9[%get3A_91] {strides = array<i32>} : memref<2048xf32, #tpu.memory_space<vmem>>, vector<16xf32>,
          %get3A_93 = arith.index_cast %mul3A_87 : i32 to index
          %get3A_94 = tpu.vector_load %arg10[%get3A_93] {strides = array<i32>} : memref<2048xf32, #tpu.memory_space<vmem>>, vector<16xf32>,
          %get3A_95 = arith.index_cast %mul3A_87 : i32 to index
          %get3A_96 = tpu.vector_load %arg11[%get3A_95] {strides = array<i32>} : memref<2048xf32, #tpu.memory_space<vmem>>, vector<16xf32>,
          %get3A_97 = arith.index_cast %mul3A_87 : i32 to index
          %get3A_98 = tpu.vector_load %arg12[%get3A_97] {strides = array<i32>} : memref<2048xf32, #tpu.memory_space<vmem>>, vector<16xf32>,
          %get3A_99 = arith.index_cast %mul3A_87 : i32 to index
          %get3A_100 = tpu.vector_load %arg13[%get3A_99] {strides = array<i32>} : memref<2048xf32, #tpu.memory_space<vmem>>, vector<16xf32>,
          %get3A_101 = arith.index_cast %mul3A_87 : i32 to index
          %get3A_102 = tpu.vector_load %arg14[%get3A_101] {strides = array<i32>} : memref<2048xf32, #tpu.memory_space<vmem>>, vector<16xf32>,
          %get3A_103 = arith.index_cast %mul3A_87 : i32 to index
          %get3A_104 = tpu.vector_load %arg26[%get3A_103] {strides = array<i32>} : memref<2048xf32, #tpu.memory_space<vmem>>, vector<16xf32>,
          %get3A_105 = arith.index_cast %mul3A_87 : i32 to index
          %get3A_106 = tpu.vector_load %arg27[%get3A_105] {strides = array<i32>} : memref<2048xf32, #tpu.memory_space<vmem>>, vector<16xf32>,
          %sub3A = arith.constant 1.000000e+00 : f32
          %sub3A_107 = vector.broadcast %sub3A : f32 to vector<16xf32>
          %sub3A_108 = arith.subf %sub3A_107, %get3A_104 : vector<16xf32>
          %sub3A_109 = arith.constant 1.000000e+00 : f32
          %sub3A_110 = vector.broadcast %sub3A_109 : f32 to vector<16xf32>
          %sub3A_111 = arith.subf %sub3A_110, %get3A_106 : vector<16xf32>
          %mul3A_112 = arith.mulf %sub3A_111, %sub3A_108 : vector<16xf32>
          %mul3A_113 = arith.mulf %get3A_106, %sub3A_108 : vector<16xf32>
          %mul3A_114 = arith.mulf %sub3A_111, %get3A_104 : vector<16xf32>
          %mul3A_115 = arith.mulf %get3A_106, %get3A_104 : vector<16xf32>
          %mul3A_116 = arith.mulf %get3A_88, %mul3A_112 : vector<16xf32>
          %mul3A_117 = arith.mulf %get3A_92, %mul3A_113 : vector<16xf32>
          %add3A_118 = arith.addf %mul3A_116, %mul3A_117 : vector<16xf32>
          %mul3A_119 = arith.mulf %get3A_96, %mul3A_114 : vector<16xf32>
          %add3A_120 = arith.addf %add3A_118, %mul3A_119 : vector<16xf32>
          %mul3A_121 = arith.mulf %get3A_100, %mul3A_115 : vector<16xf32>
          %add3A_122 = arith.addf %add3A_120, %mul3A_121 : vector<16xf32>
          %mul3A_123 = arith.mulf %get3A_90, %mul3A_112 : vector<16xf32>
          %mul3A_124 = arith.mulf %get3A_94, %mul3A_113 : vector<16xf32>
          %add3A_125 = arith.addf %mul3A_123, %mul3A_124 : vector<16xf32>
          %mul3A_126 = arith.mulf %get3A_98, %mul3A_114 : vector<16xf32>
          %add3A_127 = arith.addf %add3A_125, %mul3A_126 : vector<16xf32>
          %mul3A_128 = arith.mulf %get3A_102, %mul3A_115 : vector<16xf32>
          %add3A_129 = arith.addf %add3A_127, %mul3A_128 : vector<16xf32>
          %add3A_130 = vector.broadcast %mul3A_87 : i32 to vector<16xi32>
          %add3A_131 = arith.addi %add3A_130, %iota3A : vector<16xi32>
          %shift_left3A = arith.constant 5 : i32
          %shift_left3A_132 = vector.broadcast %shift_left3A : i32 to vector<16xi32>
          %shift_left3A_133 = arith.shli %add3A_131, %shift_left3A_132 : vector<16xi32>
          %mul3A_134 = arith.constant 2 : i32
          %mul3A_135 = arith.muli %mul3A_134, %while3A_30 : i32
          %add3A_136 = vector.broadcast %mul3A_135 : i32 to vector<16xi32>
          %add3A_137 = arith.addi %shift_left3A_133, %add3A_136 : vector<16xi32>
          tpu.vector_store_idx %arg23[%add3A_137], %add3A_122 : memref<65536xf32, #tpu.memory_space<vmem>>[vector<16xi32>], vector<16xf32>,
          %add3A_138 = arith.constant 1 : i32
          %add3A_139 = vector.broadcast %add3A_138 : i32 to vector<16xi32>
          %add3A_140 = arith.addi %add3A_137, %add3A_139 : vector<16xi32>
          tpu.vector_store_idx %arg23[%add3A_140], %add3A_129 : memref<65536xf32, #tpu.memory_space<vmem>>[vector<16xi32>], vector<16xf32>,
        }
      }
      %while3A_27 = arith.constant 1 : i32
      scf.for %while3A_30 = %while3A_25 to %while3A_21 step %while3A_27  : i32 {
        %broadcast_in_dim3A = vector.broadcast %while3A_30 : i32 to vector<16xi32>
        %gather3A = tpu.vector_load_idx %arg24[%broadcast_in_dim3A] : memref<16xi32, #tpu.memory_space<vmem>>[vector<16xi32>], vector<16xi32>,
        %mul3A_31 = arith.constant 1048576 : i32
        %mul3A_32 = arith.muli %while3A_30, %mul3A_31 : i32
        %while3A_33 = arith.constant 0 : i32
        %while3A_34 = arith.constant 0 : i32
        %while3A_35 = arith.constant 128 : i32
        %while3A_36 = arith.subi %while3A_35, %while3A_34 : i32
        %while3A_37 = arith.addi %while3A_34, %while3A_36 : i32
        %while3A_38 = arith.constant 1 : i32
        %while3A_39 = arith.divsi %while3A_36, %while3A_38 : i32
        %while3A_40 = arith.muli %while3A_39, %while3A_38 : i32
        %while3A_41 = arith.addi %while3A_34, %while3A_40 : i32
        %while3A_42 = arith.constant 1 : i32
        scf.for %while3A_85 = %while3A_34 to %while3A_41 step %while3A_42  : i32 {
          %mul3A_86 = arith.constant 16 : i32
          %mul3A_87 = arith.muli %while3A_85, %mul3A_86 : i32
          %get3A = arith.index_cast %mul3A_87 : i32 to index
          %get3A_88 = tpu.vector_load %arg28[%get3A] {strides = array<i32>} : memref<2048xi32, #tpu.memory_space<vmem>>, vector<16xi32>,
          %get3A_89 = arith.index_cast %mul3A_87 : i32 to index
          %get3A_90 = tpu.vector_load %arg29[%get3A_89] {strides = array<i32>} : memref<2048xi32, #tpu.memory_space<vmem>>, vector<16xi32>,
          %mul3A_91 = arith.muli %get3A_88, %gather3A : vector<16xi32>
          %mul3A_92 = arith.muli %get3A_90, %gather3A : vector<16xi32>
          %shift_right_arithmetic3A = arith.constant 9 : i32
          %shift_right_arithmetic3A_93 = vector.broadcast %shift_right_arithmetic3A : i32 to vector<16xi32>
          %shift_right_arithmetic3A_94 = arith.shrsi %mul3A_91, %shift_right_arithmetic3A_93 : vector<16xi32>
          %shift_right_arithmetic3A_95 = arith.constant 9 : i32
          %shift_right_arithmetic3A_96 = vector.broadcast %shift_right_arithmetic3A_95 : i32 to vector<16xi32>
          %shift_right_arithmetic3A_97 = arith.shrsi %mul3A_92, %shift_right_arithmetic3A_96 : vector<16xi32>
          %mul3A_98 = arith.constant -1640531535 : i32
          %mul3A_99 = vector.broadcast %mul3A_98 : i32 to vector<16xi32>
          %mul3A_100 = arith.muli %shift_right_arithmetic3A_97, %mul3A_99 : vector<16xi32>
          %add3A_101 = arith.constant -1640531535 : i32
          %add3A_102 = vector.broadcast %add3A_101 : i32 to vector<16xi32>
          %add3A_103 = arith.addi %mul3A_100, %add3A_102 : vector<16xi32>
          %add3A_104 = arith.constant 1 : i32
          %add3A_105 = vector.broadcast %add3A_104 : i32 to vector<16xi32>
          %add3A_106 = arith.addi %shift_right_arithmetic3A_94, %add3A_105 : vector<16xi32>
          %xor3A = arith.xori %shift_right_arithmetic3A_94, %mul3A_100 : vector<16xi32>
          %and3A = arith.constant 524287 : i32
          %and3A_107 = vector.broadcast %and3A : i32 to vector<16xi32>
          %and3A_108 = arith.andi %xor3A, %and3A_107 : vector<16xi32>
          %shift_left3A = arith.constant 1 : i32
          %shift_left3A_109 = vector.broadcast %shift_left3A : i32 to vector<16xi32>
          %shift_left3A_110 = arith.shli %and3A_108, %shift_left3A_109 : vector<16xi32>
          %add3A_111 = vector.broadcast %mul3A_32 : i32 to vector<16xi32>
          %add3A_112 = arith.addi %shift_left3A_110, %add3A_111 : vector<16xi32>
          %xor3A_113 = arith.xori %shift_right_arithmetic3A_94, %add3A_103 : vector<16xi32>
          %and3A_114 = arith.constant 524287 : i32
          %and3A_115 = vector.broadcast %and3A_114 : i32 to vector<16xi32>
          %and3A_116 = arith.andi %xor3A_113, %and3A_115 : vector<16xi32>
          %shift_left3A_117 = arith.constant 1 : i32
          %shift_left3A_118 = vector.broadcast %shift_left3A_117 : i32 to vector<16xi32>
          %shift_left3A_119 = arith.shli %and3A_116, %shift_left3A_118 : vector<16xi32>
          %add3A_120 = vector.broadcast %mul3A_32 : i32 to vector<16xi32>
          %add3A_121 = arith.addi %shift_left3A_119, %add3A_120 : vector<16xi32>
          %xor3A_122 = arith.xori %add3A_106, %mul3A_100 : vector<16xi32>
          %and3A_123 = arith.constant 524287 : i32
          %and3A_124 = vector.broadcast %and3A_123 : i32 to vector<16xi32>
          %and3A_125 = arith.andi %xor3A_122, %and3A_124 : vector<16xi32>
          %shift_left3A_126 = arith.constant 1 : i32
          %shift_left3A_127 = vector.broadcast %shift_left3A_126 : i32 to vector<16xi32>
          %shift_left3A_128 = arith.shli %and3A_125, %shift_left3A_127 : vector<16xi32>
          %add3A_129 = vector.broadcast %mul3A_32 : i32 to vector<16xi32>
          %add3A_130 = arith.addi %shift_left3A_128, %add3A_129 : vector<16xi32>
          %xor3A_131 = arith.xori %add3A_106, %add3A_103 : vector<16xi32>
          %and3A_132 = arith.constant 524287 : i32
          %and3A_133 = vector.broadcast %and3A_132 : i32 to vector<16xi32>
          %and3A_134 = arith.andi %xor3A_131, %and3A_133 : vector<16xi32>
          %shift_left3A_135 = arith.constant 1 : i32
          %shift_left3A_136 = vector.broadcast %shift_left3A_135 : i32 to vector<16xi32>
          %shift_left3A_137 = arith.shli %and3A_134, %shift_left3A_136 : vector<16xi32>
          %add3A_138 = vector.broadcast %mul3A_32 : i32 to vector<16xi32>
          %add3A_139 = arith.addi %shift_left3A_137, %add3A_138 : vector<16xi32>
          %swap3A = arith.index_cast %mul3A_87 : i32 to index
          %swap3A_140 = tpu.vector_load %arg15[%swap3A] {strides = array<i32>} : memref<2048xi32, #tpu.memory_space<vmem>>, vector<16xi32>,
          tpu.vector_store %arg15[%swap3A], %add3A_112 {strides = array<i32>} : memref<2048xi32, #tpu.memory_space<vmem>>, vector<16xi32>,
          %add3A_141 = arith.constant 1 : i32
          %add3A_142 = vector.broadcast %add3A_141 : i32 to vector<16xi32>
          %add3A_143 = arith.addi %add3A_112, %add3A_142 : vector<16xi32>
          %swap3A_144 = arith.index_cast %mul3A_87 : i32 to index
          %swap3A_145 = tpu.vector_load %arg16[%swap3A_144] {strides = array<i32>} : memref<2048xi32, #tpu.memory_space<vmem>>, vector<16xi32>,
          tpu.vector_store %arg16[%swap3A_144], %add3A_143 {strides = array<i32>} : memref<2048xi32, #tpu.memory_space<vmem>>, vector<16xi32>,
          %swap3A_146 = arith.index_cast %mul3A_87 : i32 to index
          %swap3A_147 = tpu.vector_load %arg17[%swap3A_146] {strides = array<i32>} : memref<2048xi32, #tpu.memory_space<vmem>>, vector<16xi32>,
          tpu.vector_store %arg17[%swap3A_146], %add3A_121 {strides = array<i32>} : memref<2048xi32, #tpu.memory_space<vmem>>, vector<16xi32>,
          %add3A_148 = arith.constant 1 : i32
          %add3A_149 = vector.broadcast %add3A_148 : i32 to vector<16xi32>
          %add3A_150 = arith.addi %add3A_121, %add3A_149 : vector<16xi32>
          %swap3A_151 = arith.index_cast %mul3A_87 : i32 to index
          %swap3A_152 = tpu.vector_load %arg18[%swap3A_151] {strides = array<i32>} : memref<2048xi32, #tpu.memory_space<vmem>>, vector<16xi32>,
          tpu.vector_store %arg18[%swap3A_151], %add3A_150 {strides = array<i32>} : memref<2048xi32, #tpu.memory_space<vmem>>, vector<16xi32>,
          %swap3A_153 = arith.index_cast %mul3A_87 : i32 to index
          %swap3A_154 = tpu.vector_load %arg19[%swap3A_153] {strides = array<i32>} : memref<2048xi32, #tpu.memory_space<vmem>>, vector<16xi32>,
          tpu.vector_store %arg19[%swap3A_153], %add3A_130 {strides = array<i32>} : memref<2048xi32, #tpu.memory_space<vmem>>, vector<16xi32>,
          %add3A_155 = arith.constant 1 : i32
          %add3A_156 = vector.broadcast %add3A_155 : i32 to vector<16xi32>
          %add3A_157 = arith.addi %add3A_130, %add3A_156 : vector<16xi32>
          %swap3A_158 = arith.index_cast %mul3A_87 : i32 to index
          %swap3A_159 = tpu.vector_load %arg20[%swap3A_158] {strides = array<i32>} : memref<2048xi32, #tpu.memory_space<vmem>>, vector<16xi32>,
          tpu.vector_store %arg20[%swap3A_158], %add3A_157 {strides = array<i32>} : memref<2048xi32, #tpu.memory_space<vmem>>, vector<16xi32>,
          %swap3A_160 = arith.index_cast %mul3A_87 : i32 to index
          %swap3A_161 = tpu.vector_load %arg21[%swap3A_160] {strides = array<i32>} : memref<2048xi32, #tpu.memory_space<vmem>>, vector<16xi32>,
          tpu.vector_store %arg21[%swap3A_160], %add3A_139 {strides = array<i32>} : memref<2048xi32, #tpu.memory_space<vmem>>, vector<16xi32>,
          %add3A_162 = arith.constant 1 : i32
          %add3A_163 = vector.broadcast %add3A_162 : i32 to vector<16xi32>
          %add3A_164 = arith.addi %add3A_139, %add3A_163 : vector<16xi32>
          %swap3A_165 = arith.index_cast %mul3A_87 : i32 to index
          %swap3A_166 = tpu.vector_load %arg22[%swap3A_165] {strides = array<i32>} : memref<2048xi32, #tpu.memory_space<vmem>>, vector<16xi32>,
          tpu.vector_store %arg22[%swap3A_165], %add3A_164 {strides = array<i32>} : memref<2048xi32, #tpu.memory_space<vmem>>, vector<16xi32>,
          %and3A_167 = arith.constant 511 : i32
          %and3A_168 = vector.broadcast %and3A_167 : i32 to vector<16xi32>
          %and3A_169 = arith.andi %mul3A_91, %and3A_168 : vector<16xi32>
          %convert_element_type3A = arith.sitofp %and3A_169 : vector<16xi32> to vector<16xf32>
          %mul3A_170 = arith.constant 0.001953125 : f32
          %mul3A_171 = vector.broadcast %mul3A_170 : f32 to vector<16xf32>
          %mul3A_172 = arith.mulf %convert_element_type3A, %mul3A_171 : vector<16xf32>
          %swap3A_173 = arith.index_cast %mul3A_87 : i32 to index
          %swap3A_174 = tpu.vector_load %arg26[%swap3A_173] {strides = array<i32>} : memref<2048xf32, #tpu.memory_space<vmem>>, vector<16xf32>,
          tpu.vector_store %arg26[%swap3A_173], %mul3A_172 {strides = array<i32>} : memref<2048xf32, #tpu.memory_space<vmem>>, vector<16xf32>,
          %and3A_175 = arith.constant 511 : i32
          %and3A_176 = vector.broadcast %and3A_175 : i32 to vector<16xi32>
          %and3A_177 = arith.andi %mul3A_92, %and3A_176 : vector<16xi32>
          %convert_element_type3A_178 = arith.sitofp %and3A_177 : vector<16xi32> to vector<16xf32>
          %mul3A_179 = arith.constant 0.001953125 : f32
          %mul3A_180 = vector.broadcast %mul3A_179 : f32 to vector<16xf32>
          %mul3A_181 = arith.mulf %convert_element_type3A_178, %mul3A_180 : vector<16xf32>
          %swap3A_182 = arith.index_cast %mul3A_87 : i32 to index
          %swap3A_183 = tpu.vector_load %arg27[%swap3A_182] {strides = array<i32>} : memref<2048xf32, #tpu.memory_space<vmem>>, vector<16xf32>,
          tpu.vector_store %arg27[%swap3A_182], %mul3A_181 {strides = array<i32>} : memref<2048xf32, #tpu.memory_space<vmem>>, vector<16xf32>,
        }
        %while3A_43 = arith.constant 1 : i32
        scf.for %while3A_85 = %while3A_41 to %while3A_37 step %while3A_43  : i32 {
          %mul3A_86 = arith.constant 16 : i32
          %mul3A_87 = arith.muli %while3A_85, %mul3A_86 : i32
          %get3A = arith.index_cast %mul3A_87 : i32 to index
          %get3A_88 = tpu.vector_load %arg28[%get3A] {strides = array<i32>} : memref<2048xi32, #tpu.memory_space<vmem>>, vector<16xi32>,
          %get3A_89 = arith.index_cast %mul3A_87 : i32 to index
          %get3A_90 = tpu.vector_load %arg29[%get3A_89] {strides = array<i32>} : memref<2048xi32, #tpu.memory_space<vmem>>, vector<16xi32>,
          %mul3A_91 = arith.muli %get3A_88, %gather3A : vector<16xi32>
          %mul3A_92 = arith.muli %get3A_90, %gather3A : vector<16xi32>
          %shift_right_arithmetic3A = arith.constant 9 : i32
          %shift_right_arithmetic3A_93 = vector.broadcast %shift_right_arithmetic3A : i32 to vector<16xi32>
          %shift_right_arithmetic3A_94 = arith.shrsi %mul3A_91, %shift_right_arithmetic3A_93 : vector<16xi32>
          %shift_right_arithmetic3A_95 = arith.constant 9 : i32
          %shift_right_arithmetic3A_96 = vector.broadcast %shift_right_arithmetic3A_95 : i32 to vector<16xi32>
          %shift_right_arithmetic3A_97 = arith.shrsi %mul3A_92, %shift_right_arithmetic3A_96 : vector<16xi32>
          %mul3A_98 = arith.constant -1640531535 : i32
          %mul3A_99 = vector.broadcast %mul3A_98 : i32 to vector<16xi32>
          %mul3A_100 = arith.muli %shift_right_arithmetic3A_97, %mul3A_99 : vector<16xi32>
          %add3A_101 = arith.constant -1640531535 : i32
          %add3A_102 = vector.broadcast %add3A_101 : i32 to vector<16xi32>
          %add3A_103 = arith.addi %mul3A_100, %add3A_102 : vector<16xi32>
          %add3A_104 = arith.constant 1 : i32
          %add3A_105 = vector.broadcast %add3A_104 : i32 to vector<16xi32>
          %add3A_106 = arith.addi %shift_right_arithmetic3A_94, %add3A_105 : vector<16xi32>
          %xor3A = arith.xori %shift_right_arithmetic3A_94, %mul3A_100 : vector<16xi32>
          %and3A = arith.constant 524287 : i32
          %and3A_107 = vector.broadcast %and3A : i32 to vector<16xi32>
          %and3A_108 = arith.andi %xor3A, %and3A_107 : vector<16xi32>
          %shift_left3A = arith.constant 1 : i32
          %shift_left3A_109 = vector.broadcast %shift_left3A : i32 to vector<16xi32>
          %shift_left3A_110 = arith.shli %and3A_108, %shift_left3A_109 : vector<16xi32>
          %add3A_111 = vector.broadcast %mul3A_32 : i32 to vector<16xi32>
          %add3A_112 = arith.addi %shift_left3A_110, %add3A_111 : vector<16xi32>
          %xor3A_113 = arith.xori %shift_right_arithmetic3A_94, %add3A_103 : vector<16xi32>
          %and3A_114 = arith.constant 524287 : i32
          %and3A_115 = vector.broadcast %and3A_114 : i32 to vector<16xi32>
          %and3A_116 = arith.andi %xor3A_113, %and3A_115 : vector<16xi32>
          %shift_left3A_117 = arith.constant 1 : i32
          %shift_left3A_118 = vector.broadcast %shift_left3A_117 : i32 to vector<16xi32>
          %shift_left3A_119 = arith.shli %and3A_116, %shift_left3A_118 : vector<16xi32>
          %add3A_120 = vector.broadcast %mul3A_32 : i32 to vector<16xi32>
          %add3A_121 = arith.addi %shift_left3A_119, %add3A_120 : vector<16xi32>
          %xor3A_122 = arith.xori %add3A_106, %mul3A_100 : vector<16xi32>
          %and3A_123 = arith.constant 524287 : i32
          %and3A_124 = vector.broadcast %and3A_123 : i32 to vector<16xi32>
          %and3A_125 = arith.andi %xor3A_122, %and3A_124 : vector<16xi32>
          %shift_left3A_126 = arith.constant 1 : i32
          %shift_left3A_127 = vector.broadcast %shift_left3A_126 : i32 to vector<16xi32>
          %shift_left3A_128 = arith.shli %and3A_125, %shift_left3A_127 : vector<16xi32>
          %add3A_129 = vector.broadcast %mul3A_32 : i32 to vector<16xi32>
          %add3A_130 = arith.addi %shift_left3A_128, %add3A_129 : vector<16xi32>
          %xor3A_131 = arith.xori %add3A_106, %add3A_103 : vector<16xi32>
          %and3A_132 = arith.constant 524287 : i32
          %and3A_133 = vector.broadcast %and3A_132 : i32 to vector<16xi32>
          %and3A_134 = arith.andi %xor3A_131, %and3A_133 : vector<16xi32>
          %shift_left3A_135 = arith.constant 1 : i32
          %shift_left3A_136 = vector.broadcast %shift_left3A_135 : i32 to vector<16xi32>
          %shift_left3A_137 = arith.shli %and3A_134, %shift_left3A_136 : vector<16xi32>
          %add3A_138 = vector.broadcast %mul3A_32 : i32 to vector<16xi32>
          %add3A_139 = arith.addi %shift_left3A_137, %add3A_138 : vector<16xi32>
          %swap3A = arith.index_cast %mul3A_87 : i32 to index
          %swap3A_140 = tpu.vector_load %arg15[%swap3A] {strides = array<i32>} : memref<2048xi32, #tpu.memory_space<vmem>>, vector<16xi32>,
          tpu.vector_store %arg15[%swap3A], %add3A_112 {strides = array<i32>} : memref<2048xi32, #tpu.memory_space<vmem>>, vector<16xi32>,
          %add3A_141 = arith.constant 1 : i32
          %add3A_142 = vector.broadcast %add3A_141 : i32 to vector<16xi32>
          %add3A_143 = arith.addi %add3A_112, %add3A_142 : vector<16xi32>
          %swap3A_144 = arith.index_cast %mul3A_87 : i32 to index
          %swap3A_145 = tpu.vector_load %arg16[%swap3A_144] {strides = array<i32>} : memref<2048xi32, #tpu.memory_space<vmem>>, vector<16xi32>,
          tpu.vector_store %arg16[%swap3A_144], %add3A_143 {strides = array<i32>} : memref<2048xi32, #tpu.memory_space<vmem>>, vector<16xi32>,
          %swap3A_146 = arith.index_cast %mul3A_87 : i32 to index
          %swap3A_147 = tpu.vector_load %arg17[%swap3A_146] {strides = array<i32>} : memref<2048xi32, #tpu.memory_space<vmem>>, vector<16xi32>,
          tpu.vector_store %arg17[%swap3A_146], %add3A_121 {strides = array<i32>} : memref<2048xi32, #tpu.memory_space<vmem>>, vector<16xi32>,
          %add3A_148 = arith.constant 1 : i32
          %add3A_149 = vector.broadcast %add3A_148 : i32 to vector<16xi32>
          %add3A_150 = arith.addi %add3A_121, %add3A_149 : vector<16xi32>
          %swap3A_151 = arith.index_cast %mul3A_87 : i32 to index
          %swap3A_152 = tpu.vector_load %arg18[%swap3A_151] {strides = array<i32>} : memref<2048xi32, #tpu.memory_space<vmem>>, vector<16xi32>,
          tpu.vector_store %arg18[%swap3A_151], %add3A_150 {strides = array<i32>} : memref<2048xi32, #tpu.memory_space<vmem>>, vector<16xi32>,
          %swap3A_153 = arith.index_cast %mul3A_87 : i32 to index
          %swap3A_154 = tpu.vector_load %arg19[%swap3A_153] {strides = array<i32>} : memref<2048xi32, #tpu.memory_space<vmem>>, vector<16xi32>,
          tpu.vector_store %arg19[%swap3A_153], %add3A_130 {strides = array<i32>} : memref<2048xi32, #tpu.memory_space<vmem>>, vector<16xi32>,
          %add3A_155 = arith.constant 1 : i32
          %add3A_156 = vector.broadcast %add3A_155 : i32 to vector<16xi32>
          %add3A_157 = arith.addi %add3A_130, %add3A_156 : vector<16xi32>
          %swap3A_158 = arith.index_cast %mul3A_87 : i32 to index
          %swap3A_159 = tpu.vector_load %arg20[%swap3A_158] {strides = array<i32>} : memref<2048xi32, #tpu.memory_space<vmem>>, vector<16xi32>,
          tpu.vector_store %arg20[%swap3A_158], %add3A_157 {strides = array<i32>} : memref<2048xi32, #tpu.memory_space<vmem>>, vector<16xi32>,
          %swap3A_160 = arith.index_cast %mul3A_87 : i32 to index
          %swap3A_161 = tpu.vector_load %arg21[%swap3A_160] {strides = array<i32>} : memref<2048xi32, #tpu.memory_space<vmem>>, vector<16xi32>,
          tpu.vector_store %arg21[%swap3A_160], %add3A_139 {strides = array<i32>} : memref<2048xi32, #tpu.memory_space<vmem>>, vector<16xi32>,
          %add3A_162 = arith.constant 1 : i32
          %add3A_163 = vector.broadcast %add3A_162 : i32 to vector<16xi32>
          %add3A_164 = arith.addi %add3A_139, %add3A_163 : vector<16xi32>
          %swap3A_165 = arith.index_cast %mul3A_87 : i32 to index
          %swap3A_166 = tpu.vector_load %arg22[%swap3A_165] {strides = array<i32>} : memref<2048xi32, #tpu.memory_space<vmem>>, vector<16xi32>,
          tpu.vector_store %arg22[%swap3A_165], %add3A_164 {strides = array<i32>} : memref<2048xi32, #tpu.memory_space<vmem>>, vector<16xi32>,
          %and3A_167 = arith.constant 511 : i32
          %and3A_168 = vector.broadcast %and3A_167 : i32 to vector<16xi32>
          %and3A_169 = arith.andi %mul3A_91, %and3A_168 : vector<16xi32>
          %convert_element_type3A = arith.sitofp %and3A_169 : vector<16xi32> to vector<16xf32>
          %mul3A_170 = arith.constant 0.001953125 : f32
          %mul3A_171 = vector.broadcast %mul3A_170 : f32 to vector<16xf32>
          %mul3A_172 = arith.mulf %convert_element_type3A, %mul3A_171 : vector<16xf32>
          %swap3A_173 = arith.index_cast %mul3A_87 : i32 to index
          %swap3A_174 = tpu.vector_load %arg26[%swap3A_173] {strides = array<i32>} : memref<2048xf32, #tpu.memory_space<vmem>>, vector<16xf32>,
          tpu.vector_store %arg26[%swap3A_173], %mul3A_172 {strides = array<i32>} : memref<2048xf32, #tpu.memory_space<vmem>>, vector<16xf32>,
          %and3A_175 = arith.constant 511 : i32
          %and3A_176 = vector.broadcast %and3A_175 : i32 to vector<16xi32>
          %and3A_177 = arith.andi %mul3A_92, %and3A_176 : vector<16xi32>
          %convert_element_type3A_178 = arith.sitofp %and3A_177 : vector<16xi32> to vector<16xf32>
          %mul3A_179 = arith.constant 0.001953125 : f32
          %mul3A_180 = vector.broadcast %mul3A_179 : f32 to vector<16xf32>
          %mul3A_181 = arith.mulf %convert_element_type3A_178, %mul3A_180 : vector<16xf32>
          %swap3A_182 = arith.index_cast %mul3A_87 : i32 to index
          %swap3A_183 = tpu.vector_load %arg27[%swap3A_182] {strides = array<i32>} : memref<2048xf32, #tpu.memory_space<vmem>>, vector<16xf32>,
          tpu.vector_store %arg27[%swap3A_182], %mul3A_181 {strides = array<i32>} : memref<2048xf32, #tpu.memory_space<vmem>>, vector<16xf32>,
        }
        %dma_start3A = arith.constant 0 : i32
        %dma_start3A_44 = tpu.memref_slice %arg2[%dma_start3A] : memref<16777216xf32, #tpu.memory_space<hbm>> -> memref<16777216xf32, #tpu.memory_space<hbm>>
        tpu.enqueue_indirect_dma source(%dma_start3A_44 : memref<16777216xf32, #tpu.memory_space<hbm>>) target(%arg7 : memref<2048xf32, #tpu.memory_space<vmem>>) offsets(%arg15 : memref<2048xi32, #tpu.memory_space<vmem>>) semaphore(%arg25 : memref<!tpu.dma_semaphore, #tpu.memory_space<semaphore_mem>>)
        %dma_start3A_45 = arith.constant 0 : i32
        %dma_start3A_46 = tpu.memref_slice %arg2[%dma_start3A_45] : memref<16777216xf32, #tpu.memory_space<hbm>> -> memref<16777216xf32, #tpu.memory_space<hbm>>
        tpu.enqueue_indirect_dma source(%dma_start3A_46 : memref<16777216xf32, #tpu.memory_space<hbm>>) target(%arg8 : memref<2048xf32, #tpu.memory_space<vmem>>) offsets(%arg16 : memref<2048xi32, #tpu.memory_space<vmem>>) semaphore(%arg25 : memref<!tpu.dma_semaphore, #tpu.memory_space<semaphore_mem>>)
        %dma_start3A_47 = arith.constant 0 : i32
        %dma_start3A_48 = tpu.memref_slice %arg2[%dma_start3A_47] : memref<16777216xf32, #tpu.memory_space<hbm>> -> memref<16777216xf32, #tpu.memory_space<hbm>>
        tpu.enqueue_indirect_dma source(%dma_start3A_48 : memref<16777216xf32, #tpu.memory_space<hbm>>) target(%arg9 : memref<2048xf32, #tpu.memory_space<vmem>>) offsets(%arg17 : memref<2048xi32, #tpu.memory_space<vmem>>) semaphore(%arg25 : memref<!tpu.dma_semaphore, #tpu.memory_space<semaphore_mem>>)
        %dma_start3A_49 = arith.constant 0 : i32
        %dma_start3A_50 = tpu.memref_slice %arg2[%dma_start3A_49] : memref<16777216xf32, #tpu.memory_space<hbm>> -> memref<16777216xf32, #tpu.memory_space<hbm>>
        tpu.enqueue_indirect_dma source(%dma_start3A_50 : memref<16777216xf32, #tpu.memory_space<hbm>>) target(%arg10 : memref<2048xf32, #tpu.memory_space<vmem>>) offsets(%arg18 : memref<2048xi32, #tpu.memory_space<vmem>>) semaphore(%arg25 : memref<!tpu.dma_semaphore, #tpu.memory_space<semaphore_mem>>)
        %dma_start3A_51 = arith.constant 0 : i32
        %dma_start3A_52 = tpu.memref_slice %arg2[%dma_start3A_51] : memref<16777216xf32, #tpu.memory_space<hbm>> -> memref<16777216xf32, #tpu.memory_space<hbm>>
        tpu.enqueue_indirect_dma source(%dma_start3A_52 : memref<16777216xf32, #tpu.memory_space<hbm>>) target(%arg11 : memref<2048xf32, #tpu.memory_space<vmem>>) offsets(%arg19 : memref<2048xi32, #tpu.memory_space<vmem>>) semaphore(%arg25 : memref<!tpu.dma_semaphore, #tpu.memory_space<semaphore_mem>>)
        %dma_start3A_53 = arith.constant 0 : i32
        %dma_start3A_54 = tpu.memref_slice %arg2[%dma_start3A_53] : memref<16777216xf32, #tpu.memory_space<hbm>> -> memref<16777216xf32, #tpu.memory_space<hbm>>
        tpu.enqueue_indirect_dma source(%dma_start3A_54 : memref<16777216xf32, #tpu.memory_space<hbm>>) target(%arg12 : memref<2048xf32, #tpu.memory_space<vmem>>) offsets(%arg20 : memref<2048xi32, #tpu.memory_space<vmem>>) semaphore(%arg25 : memref<!tpu.dma_semaphore, #tpu.memory_space<semaphore_mem>>)
        %dma_start3A_55 = arith.constant 0 : i32
        %dma_start3A_56 = tpu.memref_slice %arg2[%dma_start3A_55] : memref<16777216xf32, #tpu.memory_space<hbm>> -> memref<16777216xf32, #tpu.memory_space<hbm>>
        tpu.enqueue_indirect_dma source(%dma_start3A_56 : memref<16777216xf32, #tpu.memory_space<hbm>>) target(%arg13 : memref<2048xf32, #tpu.memory_space<vmem>>) offsets(%arg21 : memref<2048xi32, #tpu.memory_space<vmem>>) semaphore(%arg25 : memref<!tpu.dma_semaphore, #tpu.memory_space<semaphore_mem>>)
        %dma_start3A_57 = arith.constant 0 : i32
        %dma_start3A_58 = tpu.memref_slice %arg2[%dma_start3A_57] : memref<16777216xf32, #tpu.memory_space<hbm>> -> memref<16777216xf32, #tpu.memory_space<hbm>>
        tpu.enqueue_indirect_dma source(%dma_start3A_58 : memref<16777216xf32, #tpu.memory_space<hbm>>) target(%arg14 : memref<2048xf32, #tpu.memory_space<vmem>>) offsets(%arg22 : memref<2048xi32, #tpu.memory_space<vmem>>) semaphore(%arg25 : memref<!tpu.dma_semaphore, #tpu.memory_space<semaphore_mem>>)
        %dma_wait3A = arith.constant 0 : i32
        %dma_wait3A_59 = tpu.memref_slice %arg2[%dma_wait3A] : memref<16777216xf32, #tpu.memory_space<hbm>> -> memref<16777216xf32, #tpu.memory_space<hbm>>
        tpu.wait_indirect_dma semaphore(%arg25 : memref<!tpu.dma_semaphore, #tpu.memory_space<semaphore_mem>>) src(%dma_wait3A_59 : memref<16777216xf32, #tpu.memory_space<hbm>>) dst(%arg7 : memref<2048xf32, #tpu.memory_space<vmem>>)
        %dma_wait3A_60 = arith.constant 0 : i32
        %dma_wait3A_61 = tpu.memref_slice %arg2[%dma_wait3A_60] : memref<16777216xf32, #tpu.memory_space<hbm>> -> memref<16777216xf32, #tpu.memory_space<hbm>>
        tpu.wait_indirect_dma semaphore(%arg25 : memref<!tpu.dma_semaphore, #tpu.memory_space<semaphore_mem>>) src(%dma_wait3A_61 : memref<16777216xf32, #tpu.memory_space<hbm>>) dst(%arg8 : memref<2048xf32, #tpu.memory_space<vmem>>)
        %dma_wait3A_62 = arith.constant 0 : i32
        %dma_wait3A_63 = tpu.memref_slice %arg2[%dma_wait3A_62] : memref<16777216xf32, #tpu.memory_space<hbm>> -> memref<16777216xf32, #tpu.memory_space<hbm>>
        tpu.wait_indirect_dma semaphore(%arg25 : memref<!tpu.dma_semaphore, #tpu.memory_space<semaphore_mem>>) src(%dma_wait3A_63 : memref<16777216xf32, #tpu.memory_space<hbm>>) dst(%arg9 : memref<2048xf32, #tpu.memory_space<vmem>>)
        %dma_wait3A_64 = arith.constant 0 : i32
        %dma_wait3A_65 = tpu.memref_slice %arg2[%dma_wait3A_64] : memref<16777216xf32, #tpu.memory_space<hbm>> -> memref<16777216xf32, #tpu.memory_space<hbm>>
        tpu.wait_indirect_dma semaphore(%arg25 : memref<!tpu.dma_semaphore, #tpu.memory_space<semaphore_mem>>) src(%dma_wait3A_65 : memref<16777216xf32, #tpu.memory_space<hbm>>) dst(%arg10 : memref<2048xf32, #tpu.memory_space<vmem>>)
        %dma_wait3A_66 = arith.constant 0 : i32
        %dma_wait3A_67 = tpu.memref_slice %arg2[%dma_wait3A_66] : memref<16777216xf32, #tpu.memory_space<hbm>> -> memref<16777216xf32, #tpu.memory_space<hbm>>
        tpu.wait_indirect_dma semaphore(%arg25 : memref<!tpu.dma_semaphore, #tpu.memory_space<semaphore_mem>>) src(%dma_wait3A_67 : memref<16777216xf32, #tpu.memory_space<hbm>>) dst(%arg11 : memref<2048xf32, #tpu.memory_space<vmem>>)
        %dma_wait3A_68 = arith.constant 0 : i32
        %dma_wait3A_69 = tpu.memref_slice %arg2[%dma_wait3A_68] : memref<16777216xf32, #tpu.memory_space<hbm>> -> memref<16777216xf32, #tpu.memory_space<hbm>>
        tpu.wait_indirect_dma semaphore(%arg25 : memref<!tpu.dma_semaphore, #tpu.memory_space<semaphore_mem>>) src(%dma_wait3A_69 : memref<16777216xf32, #tpu.memory_space<hbm>>) dst(%arg12 : memref<2048xf32, #tpu.memory_space<vmem>>)
        %dma_wait3A_70 = arith.constant 0 : i32
        %dma_wait3A_71 = tpu.memref_slice %arg2[%dma_wait3A_70] : memref<16777216xf32, #tpu.memory_space<hbm>> -> memref<16777216xf32, #tpu.memory_space<hbm>>
        tpu.wait_indirect_dma semaphore(%arg25 : memref<!tpu.dma_semaphore, #tpu.memory_space<semaphore_mem>>) src(%dma_wait3A_71 : memref<16777216xf32, #tpu.memory_space<hbm>>) dst(%arg13 : memref<2048xf32, #tpu.memory_space<vmem>>)
        %dma_wait3A_72 = arith.constant 0 : i32
        %dma_wait3A_73 = tpu.memref_slice %arg2[%dma_wait3A_72] : memref<16777216xf32, #tpu.memory_space<hbm>> -> memref<16777216xf32, #tpu.memory_space<hbm>>
        tpu.wait_indirect_dma semaphore(%arg25 : memref<!tpu.dma_semaphore, #tpu.memory_space<semaphore_mem>>) src(%dma_wait3A_73 : memref<16777216xf32, #tpu.memory_space<hbm>>) dst(%arg14 : memref<2048xf32, #tpu.memory_space<vmem>>)
        %while3A_74 = arith.constant 0 : i32
        %while3A_75 = arith.constant 0 : i32
        %while3A_76 = arith.constant 128 : i32
        %while3A_77 = arith.subi %while3A_76, %while3A_75 : i32
        %while3A_78 = arith.addi %while3A_75, %while3A_77 : i32
        %while3A_79 = arith.constant 1 : i32
        %while3A_80 = arith.divsi %while3A_77, %while3A_79 : i32
        %while3A_81 = arith.muli %while3A_80, %while3A_79 : i32
        %while3A_82 = arith.addi %while3A_75, %while3A_81 : i32
        %while3A_83 = arith.constant 1 : i32
        scf.for %while3A_85 = %while3A_75 to %while3A_82 step %while3A_83  : i32 {
          %mul3A_86 = arith.constant 16 : i32
          %mul3A_87 = arith.muli %while3A_85, %mul3A_86 : i32
          %get3A = arith.index_cast %mul3A_87 : i32 to index
          %get3A_88 = tpu.vector_load %arg7[%get3A] {strides = array<i32>} : memref<2048xf32, #tpu.memory_space<vmem>>, vector<16xf32>,
          %get3A_89 = arith.index_cast %mul3A_87 : i32 to index
          %get3A_90 = tpu.vector_load %arg8[%get3A_89] {strides = array<i32>} : memref<2048xf32, #tpu.memory_space<vmem>>, vector<16xf32>,
          %get3A_91 = arith.index_cast %mul3A_87 : i32 to index
          %get3A_92 = tpu.vector_load %arg9[%get3A_91] {strides = array<i32>} : memref<2048xf32, #tpu.memory_space<vmem>>, vector<16xf32>,
          %get3A_93 = arith.index_cast %mul3A_87 : i32 to index
          %get3A_94 = tpu.vector_load %arg10[%get3A_93] {strides = array<i32>} : memref<2048xf32, #tpu.memory_space<vmem>>, vector<16xf32>,
          %get3A_95 = arith.index_cast %mul3A_87 : i32 to index
          %get3A_96 = tpu.vector_load %arg11[%get3A_95] {strides = array<i32>} : memref<2048xf32, #tpu.memory_space<vmem>>, vector<16xf32>,
          %get3A_97 = arith.index_cast %mul3A_87 : i32 to index
          %get3A_98 = tpu.vector_load %arg12[%get3A_97] {strides = array<i32>} : memref<2048xf32, #tpu.memory_space<vmem>>, vector<16xf32>,
          %get3A_99 = arith.index_cast %mul3A_87 : i32 to index
          %get3A_100 = tpu.vector_load %arg13[%get3A_99] {strides = array<i32>} : memref<2048xf32, #tpu.memory_space<vmem>>, vector<16xf32>,
          %get3A_101 = arith.index_cast %mul3A_87 : i32 to index
          %get3A_102 = tpu.vector_load %arg14[%get3A_101] {strides = array<i32>} : memref<2048xf32, #tpu.memory_space<vmem>>, vector<16xf32>,
          %get3A_103 = arith.index_cast %mul3A_87 : i32 to index
          %get3A_104 = tpu.vector_load %arg26[%get3A_103] {strides = array<i32>} : memref<2048xf32, #tpu.memory_space<vmem>>, vector<16xf32>,
          %get3A_105 = arith.index_cast %mul3A_87 : i32 to index
          %get3A_106 = tpu.vector_load %arg27[%get3A_105] {strides = array<i32>} : memref<2048xf32, #tpu.memory_space<vmem>>, vector<16xf32>,
          %sub3A = arith.constant 1.000000e+00 : f32
          %sub3A_107 = vector.broadcast %sub3A : f32 to vector<16xf32>
          %sub3A_108 = arith.subf %sub3A_107, %get3A_104 : vector<16xf32>
          %sub3A_109 = arith.constant 1.000000e+00 : f32
          %sub3A_110 = vector.broadcast %sub3A_109 : f32 to vector<16xf32>
          %sub3A_111 = arith.subf %sub3A_110, %get3A_106 : vector<16xf32>
          %mul3A_112 = arith.mulf %sub3A_111, %sub3A_108 : vector<16xf32>
          %mul3A_113 = arith.mulf %get3A_106, %sub3A_108 : vector<16xf32>
          %mul3A_114 = arith.mulf %sub3A_111, %get3A_104 : vector<16xf32>
          %mul3A_115 = arith.mulf %get3A_106, %get3A_104 : vector<16xf32>
          %mul3A_116 = arith.mulf %get3A_88, %mul3A_112 : vector<16xf32>
          %mul3A_117 = arith.mulf %get3A_92, %mul3A_113 : vector<16xf32>
          %add3A_118 = arith.addf %mul3A_116, %mul3A_117 : vector<16xf32>
          %mul3A_119 = arith.mulf %get3A_96, %mul3A_114 : vector<16xf32>
          %add3A_120 = arith.addf %add3A_118, %mul3A_119 : vector<16xf32>
          %mul3A_121 = arith.mulf %get3A_100, %mul3A_115 : vector<16xf32>
          %add3A_122 = arith.addf %add3A_120, %mul3A_121 : vector<16xf32>
          %mul3A_123 = arith.mulf %get3A_90, %mul3A_112 : vector<16xf32>
          %mul3A_124 = arith.mulf %get3A_94, %mul3A_113 : vector<16xf32>
          %add3A_125 = arith.addf %mul3A_123, %mul3A_124 : vector<16xf32>
          %mul3A_126 = arith.mulf %get3A_98, %mul3A_114 : vector<16xf32>
          %add3A_127 = arith.addf %add3A_125, %mul3A_126 : vector<16xf32>
          %mul3A_128 = arith.mulf %get3A_102, %mul3A_115 : vector<16xf32>
          %add3A_129 = arith.addf %add3A_127, %mul3A_128 : vector<16xf32>
          %add3A_130 = vector.broadcast %mul3A_87 : i32 to vector<16xi32>
          %add3A_131 = arith.addi %add3A_130, %iota3A : vector<16xi32>
          %shift_left3A = arith.constant 5 : i32
          %shift_left3A_132 = vector.broadcast %shift_left3A : i32 to vector<16xi32>
          %shift_left3A_133 = arith.shli %add3A_131, %shift_left3A_132 : vector<16xi32>
          %mul3A_134 = arith.constant 2 : i32
          %mul3A_135 = arith.muli %mul3A_134, %while3A_30 : i32
          %add3A_136 = vector.broadcast %mul3A_135 : i32 to vector<16xi32>
          %add3A_137 = arith.addi %shift_left3A_133, %add3A_136 : vector<16xi32>
          tpu.vector_store_idx %arg23[%add3A_137], %add3A_122 : memref<65536xf32, #tpu.memory_space<vmem>>[vector<16xi32>], vector<16xf32>,
          %add3A_138 = arith.constant 1 : i32
          %add3A_139 = vector.broadcast %add3A_138 : i32 to vector<16xi32>
          %add3A_140 = arith.addi %add3A_137, %add3A_139 : vector<16xi32>
          tpu.vector_store_idx %arg23[%add3A_140], %add3A_129 : memref<65536xf32, #tpu.memory_space<vmem>>[vector<16xi32>], vector<16xf32>,
        }
        %while3A_84 = arith.constant 1 : i32
        scf.for %while3A_85 = %while3A_82 to %while3A_78 step %while3A_84  : i32 {
          %mul3A_86 = arith.constant 16 : i32
          %mul3A_87 = arith.muli %while3A_85, %mul3A_86 : i32
          %get3A = arith.index_cast %mul3A_87 : i32 to index
          %get3A_88 = tpu.vector_load %arg7[%get3A] {strides = array<i32>} : memref<2048xf32, #tpu.memory_space<vmem>>, vector<16xf32>,
          %get3A_89 = arith.index_cast %mul3A_87 : i32 to index
          %get3A_90 = tpu.vector_load %arg8[%get3A_89] {strides = array<i32>} : memref<2048xf32, #tpu.memory_space<vmem>>, vector<16xf32>,
          %get3A_91 = arith.index_cast %mul3A_87 : i32 to index
          %get3A_92 = tpu.vector_load %arg9[%get3A_91] {strides = array<i32>} : memref<2048xf32, #tpu.memory_space<vmem>>, vector<16xf32>,
          %get3A_93 = arith.index_cast %mul3A_87 : i32 to index
          %get3A_94 = tpu.vector_load %arg10[%get3A_93] {strides = array<i32>} : memref<2048xf32, #tpu.memory_space<vmem>>, vector<16xf32>,
          %get3A_95 = arith.index_cast %mul3A_87 : i32 to index
          %get3A_96 = tpu.vector_load %arg11[%get3A_95] {strides = array<i32>} : memref<2048xf32, #tpu.memory_space<vmem>>, vector<16xf32>,
          %get3A_97 = arith.index_cast %mul3A_87 : i32 to index
          %get3A_98 = tpu.vector_load %arg12[%get3A_97] {strides = array<i32>} : memref<2048xf32, #tpu.memory_space<vmem>>, vector<16xf32>,
          %get3A_99 = arith.index_cast %mul3A_87 : i32 to index
          %get3A_100 = tpu.vector_load %arg13[%get3A_99] {strides = array<i32>} : memref<2048xf32, #tpu.memory_space<vmem>>, vector<16xf32>,
          %get3A_101 = arith.index_cast %mul3A_87 : i32 to index
          %get3A_102 = tpu.vector_load %arg14[%get3A_101] {strides = array<i32>} : memref<2048xf32, #tpu.memory_space<vmem>>, vector<16xf32>,
          %get3A_103 = arith.index_cast %mul3A_87 : i32 to index
          %get3A_104 = tpu.vector_load %arg26[%get3A_103] {strides = array<i32>} : memref<2048xf32, #tpu.memory_space<vmem>>, vector<16xf32>,
          %get3A_105 = arith.index_cast %mul3A_87 : i32 to index
          %get3A_106 = tpu.vector_load %arg27[%get3A_105] {strides = array<i32>} : memref<2048xf32, #tpu.memory_space<vmem>>, vector<16xf32>,
          %sub3A = arith.constant 1.000000e+00 : f32
          %sub3A_107 = vector.broadcast %sub3A : f32 to vector<16xf32>
          %sub3A_108 = arith.subf %sub3A_107, %get3A_104 : vector<16xf32>
          %sub3A_109 = arith.constant 1.000000e+00 : f32
          %sub3A_110 = vector.broadcast %sub3A_109 : f32 to vector<16xf32>
          %sub3A_111 = arith.subf %sub3A_110, %get3A_106 : vector<16xf32>
          %mul3A_112 = arith.mulf %sub3A_111, %sub3A_108 : vector<16xf32>
          %mul3A_113 = arith.mulf %get3A_106, %sub3A_108 : vector<16xf32>
          %mul3A_114 = arith.mulf %sub3A_111, %get3A_104 : vector<16xf32>
          %mul3A_115 = arith.mulf %get3A_106, %get3A_104 : vector<16xf32>
          %mul3A_116 = arith.mulf %get3A_88, %mul3A_112 : vector<16xf32>
          %mul3A_117 = arith.mulf %get3A_92, %mul3A_113 : vector<16xf32>
          %add3A_118 = arith.addf %mul3A_116, %mul3A_117 : vector<16xf32>
          %mul3A_119 = arith.mulf %get3A_96, %mul3A_114 : vector<16xf32>
          %add3A_120 = arith.addf %add3A_118, %mul3A_119 : vector<16xf32>
          %mul3A_121 = arith.mulf %get3A_100, %mul3A_115 : vector<16xf32>
          %add3A_122 = arith.addf %add3A_120, %mul3A_121 : vector<16xf32>
          %mul3A_123 = arith.mulf %get3A_90, %mul3A_112 : vector<16xf32>
          %mul3A_124 = arith.mulf %get3A_94, %mul3A_113 : vector<16xf32>
          %add3A_125 = arith.addf %mul3A_123, %mul3A_124 : vector<16xf32>
          %mul3A_126 = arith.mulf %get3A_98, %mul3A_114 : vector<16xf32>
          %add3A_127 = arith.addf %add3A_125, %mul3A_126 : vector<16xf32>
          %mul3A_128 = arith.mulf %get3A_102, %mul3A_115 : vector<16xf32>
          %add3A_129 = arith.addf %add3A_127, %mul3A_128 : vector<16xf32>
          %add3A_130 = vector.broadcast %mul3A_87 : i32 to vector<16xi32>
          %add3A_131 = arith.addi %add3A_130, %iota3A : vector<16xi32>
          %shift_left3A = arith.constant 5 : i32
          %shift_left3A_132 = vector.broadcast %shift_left3A : i32 to vector<16xi32>
          %shift_left3A_133 = arith.shli %add3A_131, %shift_left3A_132 : vector<16xi32>
          %mul3A_134 = arith.constant 2 : i32
          %mul3A_135 = arith.muli %mul3A_134, %while3A_30 : i32
          %add3A_136 = vector.broadcast %mul3A_135 : i32 to vector<16xi32>
          %add3A_137 = arith.addi %shift_left3A_133, %add3A_136 : vector<16xi32>
          tpu.vector_store_idx %arg23[%add3A_137], %add3A_122 : memref<65536xf32, #tpu.memory_space<vmem>>[vector<16xi32>], vector<16xf32>,
          %add3A_138 = arith.constant 1 : i32
          %add3A_139 = vector.broadcast %add3A_138 : i32 to vector<16xi32>
          %add3A_140 = arith.addi %add3A_137, %add3A_139 : vector<16xi32>
          tpu.vector_store_idx %arg23[%add3A_140], %add3A_129 : memref<65536xf32, #tpu.memory_space<vmem>>[vector<16xi32>], vector<16xf32>,
        }
      }
      %mul3A_28 = arith.constant 32 : i32
      %mul3A_29 = arith.muli %multiple_of3A, %mul3A_28 : i32
      "tpu.region"() ({
        %run_scoped3A = tpu.sem_alloc : memref<!tpu.dma_semaphore, #tpu.memory_space<semaphore_mem>>
        %dma_start3A = tpu.memref_slice %arg6[%mul3A_29] : memref<8388608xf32, #tpu.memory_space<hbm>> -> memref<65536xf32, #tpu.memory_space<hbm>>
        %dma_start3A_30 = tpu.memref_slice %arg6[%mul3A_29] : memref<8388608xf32, #tpu.memory_space<hbm>> -> memref<65536xf32, #tpu.memory_space<hbm>>
        tpu.enqueue_dma source(%arg23 : memref<65536xf32, #tpu.memory_space<vmem>>) target(%dma_start3A_30 : memref<65536xf32, #tpu.memory_space<hbm>>) target_semaphore(%run_scoped3A : memref<!tpu.dma_semaphore, #tpu.memory_space<semaphore_mem>>)
        %dma_wait3A = tpu.memref_slice %arg6[%mul3A_29] : memref<8388608xf32, #tpu.memory_space<hbm>> -> memref<65536xf32, #tpu.memory_space<hbm>>
        %dma_wait3A_31 = tpu.memref_slice %arg6[%mul3A_29] : memref<8388608xf32, #tpu.memory_space<hbm>> -> memref<65536xf32, #tpu.memory_space<hbm>>
        tpu.wait_dma2 semaphore(%run_scoped3A : memref<!tpu.dma_semaphore, #tpu.memory_space<semaphore_mem>>) src(%arg23 : memref<65536xf32, #tpu.memory_space<vmem>>) dst(%dma_wait3A_31 : memref<65536xf32, #tpu.memory_space<hbm>>)
        tpu.yield
      }) : () -> ()
    }
    return
  }
}

</mosaic_0001>

<sc_bundles>
// kernel: kernel.3.cloned.1.call-start
scs
__scs_entry_jumppad:
0x0: {  	(pc) =	sbr.rel $0x88, $3  }
0x1: {  	(tag) =	ssettag $0x0;
	lr =	simm.s32 $0x1  }
0x2: {  	[smem:$0x3F9F] =	sst lr;
	_ =	strace $0xD0000000  }
0x3: {  	_ = 	snop  }
0x4: {  	_ = 	snop  }
0x5: {  	_ = 	snop  }
0x6: {  	_ = 	snop  }
0x7: {  	_ = 	snop  }
__scs_overlays_trampoline_lowered:
0x8: {  	[smem:$0x3FAE] =	sst s0  }
0x9: {  	[smem:$0x3FAF] =	sst s1  }
0xa: {  	[smem:$0x3FB0] =	sst s2  }
0xb: {  	[smem:$0x3FB1] =	sst s3  }
0xc: {  	[smem:$0x3FB2] =	sst s4  }
0xd: {  	[smem:$0x3FB3] =	sst s5  }
0xe: {  	[smem:$0x3FB4] =	sst s6  }
0xf: {  	[smem:$0x3FB5] =	sst s7  }
0x10: {  	[smem:$0x3FB6] =	sst s8  }
0x11: {  	[smem:$0x3FB7] =	sst s9;
	s0 =	simm.s32 @!p0 $0x0  }
0x12: {  	s1 =	sld [smem:$0x3F9D];
	s0 =	simm.s32 @p0 $0x1  }
0x13: {  	[smem:$0x3FB8] =	sst s0;
	s0 =	simm.s32 @!p1 $0x0  }
0x14: {  	s2 =	sld [smem:$0x3F9C];
	s0 =	simm.s32 @p1 $0x1  }
0x15: {  	[smem:$0x3FB9] =	sst s0;
	s0 =	simm.s32 @!p2 $0x0  }
0x16: {  	s3 =	sld [smem:$0x3FDB];
	s0 =	simm.s32 @p2 $0x1  }
0x17: {  	s4 =	simm.s32 $0x1BF5;
	[smem:$0x3FBB] =	sst s0  }
0x18: {  	s0 =	sld [smem:$0x3F9E];
	_ =	swait.ge [sflag:s4], $0x0  }
0x19: {  	s7 =	sld [smem:$0x3F9F]  }
0x1a: {  	s8 =	sadd.s32 $0xFFFFE003, lr  }
0x1b: {  	s9 =	sadd.s32 $0xFFFFFEF7, lr;
	s5 =	simm.s32 $0xFFFFFFFF;
	p2 =	slt.u32 s8, $0xFFFFF086  }
0x1c: {  	p1 =	slt.u32 s9, $0xF7A;
	s5 =	simm.s32 @!p2 $0x0  }
0x1d: {  	s5 =	simm.s32 @p1 $0x1;
	p0 =	seq.s32 s7, s2  }
0x1e: {  	s7 =	smul.u32 @!p0 $0xF7A, s2;
	p2 =	seq.s32 @!p0 s5, $0x0  }
0x1f: {  	s9 =	smul.u32 $0xF7A, s1;
	s8 =	simm.s32 @!p0 $0x1BF5;
	p2 =	por !p2, p0  }
0x20: {  	[sflag:s8] =	ssyncset.s32 @!p0 $0xFFFFF086;
	s6 =	sadd.s32 @!p0 s3, s7;
	s7 =	simm.s32 @!p0 $0x108  }
0x21: {  	s3 =	sadd.s32 s3, s9;
	s6 =	sadd.s32 @!p0 $0x88, s6;
	s7 =	simm.s32 @p2 $0x1082  }
0x22: {  	[simem:s7], [sflag:s8] =	dma.local @!p0 [hbm:s6], $0xF7A  }
0x23: {  	s9 =	sor.u32 $0xD0000000, s2;
	s6 =	simm.s32 $0x108;
	_ =	swait.ge @!p0 [sflag:s8], $0x0  }
0x24: {  	s3 =	sadd.s32 $0x88, s3;
	s6 =	simm.s32 @!p1 $0x1082;
	[sflag:s4] =	ssyncset.s32 $0xFFFFF086  }
0x25: {  	[simem:s6], [sflag:s4] =	dma.local [hbm:s3], $0xF7A  }
0x26: {  	[smem:$0x3F9F] =	sst s1;
	(tag) =	ssettag s2;
	_ =	strace s9  }
0x27: {  	s1 =	sld [smem:$0x3FAF]  }
0x28: {  	s2 =	sld [smem:$0x3FB0]  }
0x29: {  	s4 =	sld [smem:$0x3FB2]  }
0x2a: {  	p0 =	seq.s32 s5, $0x0;
	s5 =	sld [smem:$0x3FB3]  }
0x2b: {  	s6 =	sld [smem:$0x3FB4]  }
0x2c: {  	s7 =	sld [smem:$0x3FB5]  }
0x2d: {  	s3 =	simm.s32 $0x108;
	s8 =	sld [smem:$0x3FB6]  }
0x2e: {  	s3 =	simm.s32 @!p0 $0x1082;
	s9 =	sld [smem:$0x3FB7]  }
0x2f: {  	lr =	sadd.s32 s0, s3;
	s0 =	sld [smem:$0x3FAE]  }
0x30: {  	s3 =	sld [smem:$0x3FB1]  }
0x31: {  	[smem:$0x3FBA] =	sst s10  }
0x32: {  	s10 =	sld [smem:$0x3FB8];
	_ =	sdelay $0x3  }
0x33: {  	p0 =	seq.s32 s10, $0x1;
	s10 =	sld [smem:$0x3FBA];
	_ =	sdelay $0x3  }
0x34: {  	[smem:$0x3FBA] =	sst s10  }
0x35: {  	s10 =	sld [smem:$0x3FB9];
	_ =	sdelay $0x3  }
0x36: {  	p1 =	seq.s32 s10, $0x1;
	s10 =	sld [smem:$0x3FBA];
	_ =	sdelay $0x3  }
0x37: {  	[smem:$0x3FBA] =	sst s10  }
0x38: {  	s10 =	sld [smem:$0x3FBB]  }
0x39: {  	_ = 	snop;
	(pc) =	sbr.ind lr, $3  }
0x3a: {  	_ = 	snop  }
0x3b: {  	_ = 	snop  }
0x3c: {  	p2 =	seq.s32 s10, $0x1;
	s10 =	sld [smem:$0x3FBA]  }
0x3d: {  	_ =	shalt  }
0x3e: {  	_ =	shalt  }
0x3f: {  	_ =	shalt  }
0x40: {  	_ =	shalt  }
0x41: {  	_ =	shalt  }
0x42: {  	_ =	shalt  }
0x43: {  	_ =	shalt  }
0x44: {  	_ =	shalt  }
0x45: {  	_ =	shalt  }
0x46: {  	_ =	shalt  }
0x47: {  	_ =	shalt  }
0x48: {  	_ =	shalt  }
0x49: {  	_ =	shalt  }
0x4a: {  	_ =	shalt  }
0x4b: {  	_ =	shalt  }
0x4c: {  	_ =	shalt  }
0x4d: {  	_ =	shalt  }
0x4e: {  	_ =	shalt  }
0x4f: {  	_ =	shalt  }
0x50: {  	_ =	shalt  }
0x51: {  	_ =	shalt  }
0x52: {  	_ =	shalt  }
0x53: {  	_ =	shalt  }
0x54: {  	_ =	shalt  }
0x55: {  	_ =	shalt  }
0x56: {  	_ =	shalt  }
0x57: {  	_ =	shalt  }
0x58: {  	_ =	shalt  }
0x59: {  	_ =	shalt  }
0x5a: {  	_ =	shalt  }
0x5b: {  	_ =	shalt  }
0x5c: {  	_ =	shalt  }
0x5d: {  	_ =	shalt  }
0x5e: {  	_ =	shalt  }
0x5f: {  	_ =	shalt  }
0x60: {  	_ =	shalt  }
0x61: {  	_ =	shalt  }
0x62: {  	_ =	shalt  }
0x63: {  	_ =	shalt  }
0x64: {  	_ =	shalt  }
0x65: {  	_ =	shalt  }
0x66: {  	_ =	shalt  }
0x67: {  	_ =	shalt  }
0x68: {  	_ =	shalt  }
0x69: {  	_ =	shalt  }
0x6a: {  	_ =	shalt  }
0x6b: {  	_ =	shalt  }
0x6c: {  	_ =	shalt  }
0x6d: {  	_ =	shalt  }
0x6e: {  	_ =	shalt  }
0x6f: {  	_ =	shalt  }
0x70: {  	_ =	shalt  }
0x71: {  	_ =	shalt  }
0x72: {  	_ =	shalt  }
0x73: {  	_ =	shalt  }
0x74: {  	_ =	shalt  }
0x75: {  	_ =	shalt  }
0x76: {  	_ =	shalt  }
0x77: {  	_ =	shalt  }
0x78: {  	_ =	shalt  }
0x79: {  	_ =	shalt  }
0x7a: {  	_ =	shalt  }
0x7b: {  	_ =	shalt  }
0x7c: {  	_ =	shalt  }
0x7d: {  	_ =	shalt  }
0x7e: {  	_ =	shalt  }
0x7f: {  	_ =	shalt  }
0x80: {  	_ =	shalt  }
0x81: {  	_ =	shalt  }
0x82: {  	_ =	shalt  }
0x83: {  	_ =	shalt  }
0x84: {  	_ =	shalt  }
0x85: {  	_ =	shalt  }
0x86: {  	_ =	shalt  }
0x87: {  	_ =	shalt  }
.Lfunc_end0:
.L_simem_size_0:
called_computation.1_lowered:
.L_overlay_start_0:
0x88: {  	s2 =	sld [smem:$0x3FD9]  }
0x89: {  	s3 =	sld [smem:$0x3FFE];
	_ =	sdelay $0x1  }
0x8a: {  	s1 =	srdreg.scid  }
0x8b: {  	s0 =	sand.u32 $0x1, s1  }
0x8c: {  	s17 =	sshll.u32 s0, $0xA;
	s2 =	sadd.s32 s3, s2  }
0x8d: {  	s2 =	sadd.s32 s2, s17  }
0x8e: {  	[smem:$0x3FC6] =	sst s2  }
0x8f: {  	_ = 	snop  }
0x90: {  	s2 =	sld [smem:$0x3FD0];
	(tm) =	ssettm $0x1  }
0x91: {  	s18 =	sld [smem:$0x3FFB];
	_ =	sdelay $0x3  }
0x92: {  	_ =	strace s18  }
0x93: {  	s3 =	sld [smem:$0x3FFC];
	_ =	sdelay $0x3  }
0x94: {  	_ =	strace s3  }
0x95: {  	s3 =	sld [smem:$0x3FFD];
	_ =	sdelay $0x3  }
0x96: {  	_ =	strace s3  }
0x97: {  	_ =	strace $0x8FFFFFFF  }
0x98: {  	s19 =	sld [smem:$0x3FDB];
	_ =	sdelay $0x1  }
0x99: {  	s4 =	simm.s32 $_scs_section_size  }
0x9a: {  	s5 =	simm.s32 $_size__tile_overlayer_lowered;
	s6 =	simm.s32 $_tile_overlayer_lowered  }
0x9b: {  	s22 =	simm.s32 $0x1BFF;
	s21 =	sshll.u32 s6, $0x1;
	s3 =	sadd.s32 s4, s19  }
0x9c: {  	s7 =	simm.s32 $0x0;
	s20 =	sshll.u32 s5, $0x1;
	s5 =	sadd.s32 s21, s3  }
0x9d: {  	[timem:s7], [sflag:s22] =	dma.local [hbm:s5], s20  }
0x9e: {  	_ =	swait.ge [sflag:s22], s20  }
0x9f: {  	s4 =	ssub.s32 $0x0, s20;
	[sflag:s22] =	ssyncset.done $0x0  }
0xa0: {  	[sflag:s22] =	ssyncadd.s32 s4;
	_ =	sdelay $0x1  }
0xa1: {  	s23 =	simm.s32 $0x1B8B  }
0xa2: {  	_ =	swait.ge [sflag:s23], $0x1  }
0xa3: {  	[sflag:s23] =	ssyncset.done $0x0  }
0xa4: {  	s25 =	simm.s32 $0x1B8E;
	s24 =	sld [smem:$0x3FFE];
	[sflag:s23] =	ssyncadd.s32 $0xFFFFFFFF  }
0xa5: {  	s26 =	simm.s32 $execute0_lowered;
	[smem:$0x3FD2] =	sst s25  }
0xa6: {  	s5 =	sshll.u32 s26, $0x1;
	_ =	strace $0x80000046;
	[dreg:$0x1] =	wrdreg $0xFFFFFFFF  }
0xa7: {  	s28 =	simm.s32 $_size_execute0_lowered;
	s3 =	sadd.s32 s3, s5;
	[dreg:$0x0] =	wrdreg $0x0  }
0xa8: {  	s5 =	sshll.u32 s28, $0x1;
	[dreg:$0x2] =	wrdreg s3  }
0xa9: {  	[dreg:$0x3] =	wrdreg s5  }
0xaa: {  	[dreg:$0x4] =	wrdreg $0xC0  }
0xab: {  	_ =	task [dreg:s7], $0x5FFFF  }
0xac: {  	[dreg:$0x1] =	wrdreg $0xFFFFFFFF  }
0xad: {  	[dreg:$0x0] =	wrdreg $0x60  }
0xae: {  	[dreg:$0x2] =	wrdreg s24  }
0xaf: {  	[dreg:$0x3] =	wrdreg s2  }
0xb0: {  	[dreg:$0x4] =	wrdreg $0x9  }
0xb1: {  	_ =	task.clear_ibuf [dreg:s7], $0x5FFFF;
	_ =	strace $0x90000046  }
0xb2: {  	s29 =	simm.s32 $0x9;
	_ =	strace $0x80000048  }
0xb3: {  	_ =	swait.ge [sflag:s29], $0x1  }
0xb4: {  	[sflag:s29] =	ssyncadd.s32 $0xFFFFFFFF  }
0xb5: {  	_ =	strace $0x90000048  }
0xb6: {  	_ =	sfence  }
0xb7: {  	s30 =	sld [smem:$0x0];
	_ =	sdelay $0x2  }
0xb8: {  	s31 =	sshll.u32 s1, $0xD;
	s1 =	sshrl.u32 s1, $0x2  }
0xb9: {  	s3 =	sand.u32 $0x4000, s31;
	s1 =	sadd.s32 s1, s30  }
0xba: {  	s0 =	sor.u32 s3, s0;
	s1 =	sshll.u32 s1, $0x11  }
0xbb: {  	s0 =	sor.u32 s1, s0  }
0xbc: {  	s0 =	sadd.s32 $0x8F2B, s0  }
0xbd: {  	[sflag:s0] =	ssyncadd.remote.s32 $0x1  }
0xbe: {  	_ =	sfence.sel $0xFFFF  }
0xbf: {  	[dreg:$0x0] =	wrdreg $0xFFFFFFFF;
	(pc) =	sbr.abs _section_cstart, $3  }
0xc0: {  	[dreg:$0x1] =	wrdreg $0xFFFFFFFF  }
0xc1: {  	_ =	task.clear_ibuf [dreg:s7], $0x2FFFF;
	_ =	strace $0x9FFFFFFF  }
0xc2: {  	(tm) =	ssettm $0x7FFFFFFF  }
0xc3: {  	_ =	shalt  }
tec
execute0_lowered:
.L_overlay_start_1:
0x0: {  	(tag) =	ssettag $0x1  }
0x1: {  	s0 =	rddreg [dreg:$0x0];
	s1 =	simm.s32 $0x0  }
0x2: {  	s24 =	srdreg.scid;
	s4 =	stileid.u32;
	s10 =	simm.s32 $0x18000  }
0x3: {  	s11 =	simm.s32 $0x2;
	s13 =	simm.s32 $0x19880;
	s14 =	simm.s32 $0x800  }
0x4: {  	s15 =	simm.s32 $0x4000;
	s16 =	simm.s32 $0x4800;
	s17 =	simm.s32 $0x5000  }
0x5: {  	s18 =	simm.s32 $0x1000;
	s19 =	simm.s32 $0x5800;
	s20 =	simm.s32 $0x1800  }
0x6: {  	s21 =	simm.s32 $0x6000;
	s22 =	simm.s32 $0x2000;
	s23 =	simm.s32 $0x6800  }
0x7: {  	s28 =	simm.s32 $0x7800;
	s29 =	simm.s32 $0x3800;
	s30 =	simm.s32 $0x1  }
0x8: {  	s31 =	simm.s32 $0x8000;
	[smem:$0x7FF] =	sst s1;
	s3 =	sadd.s32 $0x8000C00, s0  }
0x9: {  	s1 =	sand.u32 $0x1, s24;
	s5 =	sadd.s32 $0x8C00, s0;
	s6 =	sadd.s32 $0xC00, s0  }
0xa: {  	s0 =	sadd.s32 $0x10C00, s0;
	s26 =	sshll.u32 s4, $0xE;
	s2 =	ssub.s32 $0x2, s1  }
0xb: {  	s24 =	simm.s32 $0x2800;
	_ =	strace $0x80000047;
	s25 =	sshrl.u32 s2, $0x1  }
0xc: {  	[dreg:$0x3] =	wrdreg s0;
	s1 =	sshll.u32 s1, $0xD;
	s0 =	ssub.s32 s2, s25  }
0xd: {  	v0 =	vlaneseq.u32;
	s8 =	sor.u32 s1, s26;
	s26 =	simm.s32 $0x3000;
	s0 =	smax.u32 s0, $0x1  }
0xe: {  	v0 =	vmul.u32 $0x20, v0;
	s1 =	simm.s32 $0x0;
	s25 =	simm.s32 $0x7000;
	[dreg:$0x4] =	wrdreg s0  }
.LBB2_1:
0xf: {  	[dreg:$0x5] =	wrdreg s1  }
0x10: {  	s0 =	simm.s32 $0x0;
	s12 =	rddreg [dreg:$0x3]  }
0x11: {  	[tilespmem:s10], [sflag:$0x2] =	stream.linear.gather [hbm4b:s12+s0], $0x80, $0x38;
	[tilespmem:$0x1A080] =	vst v63  }
0x12: {  	_ =	swait.ge [sflag:s11], $0x80  }
0x13: {  	[sflag:s11] =	ssyncset.done $0x0  }
0x14: {  	s4 =	simm.s32 $0x0;
	[sflag:s11] =	ssyncadd.s32 $0xFFFFFF80  }
.LBB2_2:
0x15: {  	s0 =	sshll.u32 s4, $0xB  }
0x16: {  	s7 =	sadd.s32 s8, s0  }
0x17: {  	s0 =	sshrl.u32 s7, $0x3  }
0x18: {  	s9 =	simm.s32 $0x0;
	s2 =	simm.s32 $0x19080;
	s1 =	sadd.s32 s5, s0  }
0x19: {  	[tilespmem:s2], [sflag:$0x2] =	stream.linear.gather [hbm4b:s1+s9], $0x800, $0x38;
	[tilespmem:$0x1A080] =	vst v63  }
0x1a: {  	_ =	swait.ge [sflag:s11], $0x800  }
0x1b: {  	[sflag:s11] =	ssyncset.done $0x0  }
0x1c: {  	s0 =	sadd.s32 s6, s0;
	[sflag:s11] =	ssyncadd.s32 $0xFFFFF800  }
0x1d: {  	[tilespmem:s13], [sflag:$0x2] =	stream.linear.gather [hbm4b:s0+s9], $0x800, $0x38;
	[tilespmem:$0x1A080] =	vst v63  }
0x1e: {  	_ =	swait.ge [sflag:s11], $0x800  }
0x1f: {  	[sflag:s11] =	ssyncset.done $0x0  }
0x20: {  	[sflag:s11] =	ssyncadd.s32 $0xFFFFF800  }
.LBB2_3:
0x21: {  	v1 =	vmov s9;
	_ =	sdelay $0x4  }
0x22: {  	s1 =	simm.s32 $0x0;
	v3 =	vld.idx.msk [tilespmem:v1+s10+$0x0], $0xffff  }
0x23: {  	v1 =	vld [tilespmem:s1+$0x19880];
	_ =	sdelay $0x1  }
0x24: {  	v2 =	vld [tilespmem:s1+$0x19080];
	_ =	sdelay $0x2  }
0x25: {  	v4 =	vmul.u32 v3, v1  }
0x26: {  	s0 =	sshll.u32 s9, $0x14  }
0x27: {  	v1 =	vmov s0;
	v5 =	vmul.u32 v3, v2;
	v6 =	vshra.s32 v4, $0x9  }
0x28: {  	v2 =	vor.u32 $0x1, v1;
	v4 =	vand.u32 $0x1FF, v4;
	v6 =	vmul.u32 $0x9E3779B1, v6  }
0x29: {  	s0 =	simm.s32 $0x10;
	v7 =	vshra.s32 v5, $0x9;
	v5 =	vand.u32 $0x1FF, v5;
	v4 =	vcvt.s32.f32 v4  }
0x2a: {  	v11 =	vld [tilespmem:s0+$0x19880];
	v9 =	vadd.s32 $0x1, v7;
	v5 =	vcvt.s32.f32 v5;
	v8 =	vadd.s32 $0x9E3779B1, v6  }
0x2b: {  	v10 =	vxor.u32 v7, v6;
	v6 =	vxor.u32 v9, v6;
	v7 =	vxor.u32 v7, v8  }
0x2c: {  	v8 =	vxor.u32 v9, v8;
	v10 =	vshll.u32 v10, $0x1;
	v6 =	vshll.u32 v6, $0x1  }
0x2d: {  	v9 =	vld [tilespmem:s0+$0x19080];
	v7 =	vshll.u32 v7, $0x1;
	v8 =	vshll.u32 v8, $0x1;
	v10 =	vand.u32 $0xFFFFE, v10  }
0x2e: {  	v13 =	vand.u32 $0xFFFFE, v6;
	v6 =	vmul.f32 $1.953125000e-03, v5;
	v5 =	vmul.f32 $1.953125000e-03, v4  }
0x2f: {  	v4 =	vmul.u32 v3, v11;
	v8 =	vand.u32 $0xFFFFE, v8;
	v14 =	vor.u32 v1, v10  }
0x30: {  	v12 =	vand.u32 $0xFFFFE, v7;
	v16 =	vor.u32 v2, v10;
	v7 =	vor.u32 v2, v8;
	[tilespmem:s1+$0x4000] =	vst v14  }
0x31: {  	v11 =	vor.u32 v1, v12;
	v8 =	vor.u32 v1, v8;
	[tilespmem:s1+$0x7800] =	vst v7;
	v7 =	vor.u32 v1, v13  }
0x32: {  	[tilespmem:s1+$0x5000] =	vst v11;
	v11 =	vor.u32 v2, v12;
	v15 =	vmul.u32 v3, v9;
	v9 =	vshra.s32 v4, $0x9  }
0x33: {  	v4 =	vand.u32 $0x1FF, v4;
	[tilespmem:s1+$0x5800] =	vst v11;
	v11 =	vor.u32 v2, v13;
	v9 =	vmul.u32 $0x9E3779B1, v9  }
0x34: {  	[tilespmem:s1+$0x7000] =	vst v8;
	v4 =	vcvt.s32.f32 v4;
	v12 =	vshra.s32 v15, $0x9;
	v8 =	vand.u32 $0x1FF, v15  }
0x35: {  	s2 =	simm.s32 $0x20;
	s12 =	simm.s32 $0xC0;
	[tilespmem:s1+$0x4800] =	vst v16;
	v14 =	vadd.s32 $0x9E3779B1, v9;
	v13 =	vadd.s32 $0x1, v12;
	v10 =	vxor.u32 v12, v9  }
.LBB2_4:
0x36: {  	p0 =	sne.s32 s12, $0x1FC0;
	v15 =	vld [tilespmem:s2+$0x19880];
	v12 =	vxor.u32 v12, v14;
	v9 =	vxor.u32 v13, v9;
	v13 =	vxor.u32 v13, v14;
	[tilespmem:s1+$0x6000] =	vst v7  }
0x37: {  	v8 =	vcvt.s32.f32 v8;
	v7 =	vshll.u32 v12, $0x1;
	v12 =	vshll.u32 v13, $0x1;
	[tilespmem:s1+$0x6800] =	vst v11  }
0x38: {  	v10 =	vshll.u32 v10, $0x1;
	v9 =	vshll.u32 v9, $0x1;
	v11 =	vld [tilespmem:s2+$0x19080];
	v12 =	vand.u32 $0xFFFFE, v12;
	[tilespmem:s1+$0x18080] =	vst v6  }
0x39: {  	v10 =	vand.u32 $0xFFFFE, v10;
	v13 =	vand.u32 $0xFFFFE, v7;
	v6 =	vor.u32 v2, v12;
	[tilespmem:s1+$0x18880] =	vst v5;
	s1 =	smov.u32 s0;
	s0 =	smov.u32 s2  }
0x3a: {  	v14 =	vand.u32 $0xFFFFE, v9;
	v5 =	vmul.f32 $1.953125000e-03, v4;
	[tilespmem:s1+$0x7800] =	vst v6;
	v6 =	vmul.f32 $1.953125000e-03, v8  }
0x3b: {  	v12 =	vor.u32 v1, v12;
	v8 =	vor.u32 v1, v13;
	v4 =	vmul.u32 v3, v15  }
.Ltmp0:
0x3c: {  	v7 =	vor.u32 v1, v14;
	v15 =	vor.u32 v1, v10;
	[tilespmem:s1+$0x5000] =	vst v8;
	v8 =	vor.u32 v2, v13;
	(pc) =	sbr.rel @p0 .LBB2_4-.Ltmp0, $4  }
0x3d: {  	v11 =	vmul.u32 v3, v11;
	v9 =	vshra.s32 v4, $0x9;
	v4 =	vand.u32 $0x1FF, v4;
	[tilespmem:s1+$0x5800] =	vst v8  }
0x3e: {  	v16 =	vor.u32 v2, v10;
	v9 =	vmul.u32 $0x9E3779B1, v9;
	v4 =	vcvt.s32.f32 v4;
	[tilespmem:s1+$0x7000] =	vst v12  }
0x3f: {  	v12 =	vshra.s32 v11, $0x9;
	v8 =	vand.u32 $0x1FF, v11;
	[tilespmem:s1+$0x4000] =	vst v15;
	v11 =	vor.u32 v2, v14  }
0x40: {  	s2 =	sshra.s32 s12, $0x2;
	s12 =	sadd.s32 $0x40, s12;
	v14 =	vadd.s32 $0x9E3779B1, v9;
	v13 =	vadd.s32 $0x1, v12;
	v10 =	vxor.u32 v12, v9;
	[tilespmem:s1+$0x4800] =	vst v16  }
0x41: {  	v15 =	vld [tilespmem:s2+$0x19880];
	[tilespmem:s1+$0x6000] =	vst v7  }
0x42: {  	v27 =	vxor.u32 v13, v14;
	[tilespmem:s1+$0x6800] =	vst v11  }
0x43: {  	v28 =	vxor.u32 v12, v14;
	v4 =	vmul.f32 $1.953125000e-03, v4;
	v7 =	vshll.u32 v27, $0x1;
	v29 =	vld [tilespmem:s2+$0x19080];
	[tilespmem:s1+$0x18080] =	vst v6  }
0x44: {  	v30 =	vxor.u32 v13, v9;
	v11 =	vshll.u32 v28, $0x1;
	[tilespmem:s1+$0x18880] =	vst v5;
	v7 =	vand.u32 $0xFFFFE, v7  }
0x45: {  	v8 =	vcvt.s32.f32 v8;
	v31 =	vand.u32 $0xFFFFE, v11;
	[tilespmem:s0+$0x18880] =	vst v4;
	v32 =	vor.u32 v2, v7  }
0x46: {  	v5 =	vshll.u32 v10, $0x1;
	v6 =	vshll.u32 v30, $0x1;
	v34 =	vor.u32 v1, v31;
	[tilespmem:s0+$0x7800] =	vst v32  }
0x47: {  	v5 =	vand.u32 $0xFFFFE, v5;
	v9 =	vor.u32 v2, v31;
	[tilespmem:s0+$0x5000] =	vst v34;
	v33 =	vmul.u32 v3, v15  }
0x48: {  	v6 =	vand.u32 $0xFFFFE, v6;
	v7 =	vor.u32 v1, v7;
	[tilespmem:s0+$0x5800] =	vst v9;
	v3 =	vmul.u32 v3, v29  }
0x49: {  	v36 =	vor.u32 v1, v5;
	v5 =	vor.u32 v2, v5;
	[tilespmem:s0+$0x7000] =	vst v7;
	v35 =	vshra.s32 v33, $0x9  }
0x4a: {  	[tilespmem:s0+$0x4000] =	vst v36;
	v11 =	vmul.u32 $0x9E3779B1, v35;
	v37 =	vshra.s32 v3, $0x9;
	v3 =	vand.u32 $0x1FF, v3  }
0x4b: {  	v38 =	vor.u32 v1, v6;
	v6 =	vor.u32 v2, v6;
	[tilespmem:s0+$0x4800] =	vst v5;
	v3 =	vcvt.s32.f32 v3  }
0x4c: {  	v5 =	vmul.f32 $1.953125000e-03, v8;
	[tilespmem:s0+$0x6000] =	vst v38;
	v40 =	vadd.s32 $0x1, v37;
	v4 =	vxor.u32 v37, v11  }
0x4d: {  	[tilespmem:s0+$0x6800] =	vst v6;
	v39 =	vadd.s32 $0x9E3779B1, v11;
	v4 =	vshll.u32 v4, $0x1;
	v3 =	vmul.f32 $1.953125000e-03, v3  }
0x4e: {  	[tilespmem:s0+$0x18080] =	vst v5;
	v41 =	vxor.u32 v40, v39;
	v4 =	vand.u32 $0xFFFFE, v4  }
0x4f: {  	v42 =	vxor.u32 v37, v39;
	v8 =	vshll.u32 v41, $0x1;
	v48 =	vor.u32 v1, v4;
	[tilespmem:s2+$0x18080] =	vst v3  }
0x50: {  	v43 =	vshll.u32 v42, $0x1;
	v8 =	vand.u32 $0xFFFFE, v8;
	v4 =	vor.u32 v2, v4;
	[tilespmem:s2+$0x4000] =	vst v48  }
0x51: {  	v5 =	vand.u32 $0xFFFFE, v43;
	v44 =	vor.u32 v2, v8;
	[tilespmem:s2+$0x4800] =	vst v4  }
0x52: {  	v47 =	vxor.u32 v40, v11;
	v45 =	vor.u32 v1, v5;
	v5 =	vor.u32 v2, v5;
	[tilespmem:s2+$0x7800] =	vst v44  }
0x53: {  	v46 =	vand.u32 $0x1FF, v33;
	[tilespmem:s2+$0x5800] =	vst v5;
	v5 =	vshll.u32 v47, $0x1  }
0x54: {  	v49 =	vcvt.s32.f32 v46;
	v8 =	vor.u32 v1, v8;
	[tilespmem:s2+$0x5000] =	vst v45;
	v5 =	vand.u32 $0xFFFFE, v5  }
0x55: {  	[tilespmem:s2+$0x7000] =	vst v8;
	v1 =	vor.u32 v1, v5  }
0x56: {  	v2 =	vor.u32 v2, v5;
	[tilespmem:s2+$0x6000] =	vst v1;
	v1 =	vmul.f32 $1.953125000e-03, v49  }
0x57: {  	[tilespmem:s2+$0x6800] =	vst v2  }
0x58: {  	s0 =	simm.s32 $0x0;
	[tilespmem:s2+$0x18880] =	vst v1  }
0x59: {  	[tilespmem:s0], [sflag:$0x1] =	stream.indirect.gather [hbm4b:s3+s14], $0x1, s15, s14, $0xb8;
	[tilespmem:$0x1A080] =	vst v63  }
0x5a: {  	_ = 	snop  }
0x5b: {  	[tilespmem:s14], [sflag:$0x1] =	stream.indirect.gather [hbm4b:s3+s14], $0x1, s16, s14, $0xb8;
	[tilespmem:$0x1A080] =	vst v63  }
0x5c: {  	_ = 	snop  }
0x5d: {  	[tilespmem:s18], [sflag:$0x1] =	stream.indirect.gather [hbm4b:s3+s14], $0x1, s17, s14, $0xb8;
	[tilespmem:$0x1A080] =	vst v63  }
0x5e: {  	_ = 	snop  }
0x5f: {  	[tilespmem:s20], [sflag:$0x1] =	stream.indirect.gather [hbm4b:s3+s14], $0x1, s19, s14, $0xb8;
	[tilespmem:$0x1A080] =	vst v63  }
0x60: {  	_ = 	snop  }
0x61: {  	[tilespmem:s22], [sflag:$0x1] =	stream.indirect.gather [hbm4b:s3+s14], $0x1, s21, s14, $0xb8;
	[tilespmem:$0x1A080] =	vst v63  }
0x62: {  	_ = 	snop  }
0x63: {  	[tilespmem:s24], [sflag:$0x1] =	stream.indirect.gather [hbm4b:s3+s14], $0x1, s23, s14, $0xb8;
	[tilespmem:$0x1A080] =	vst v63  }
0x64: {  	_ = 	snop  }
0x65: {  	[tilespmem:s26], [sflag:$0x1] =	stream.indirect.gather [hbm4b:s3+s14], $0x1, s25, s14, $0xb8;
	[tilespmem:$0x1A080] =	vst v63  }
0x66: {  	_ = 	snop  }
0x67: {  	[tilespmem:s29], [sflag:$0x1] =	stream.indirect.gather [hbm4b:s3+s14], $0x1, s28, s14, $0xb8;
	[tilespmem:$0x1A080] =	vst v63  }
0x68: {  	_ =	swait.ge [sflag:s30], $0x800  }
0x69: {  	[sflag:s30] =	ssyncset.done $0x0  }
0x6a: {  	[sflag:s30] =	ssyncadd.s32 $0xFFFFF800  }
0x6b: {  	_ =	swait.ge [sflag:s30], $0x800  }
0x6c: {  	[sflag:s30] =	ssyncset.done $0x0  }
0x6d: {  	[sflag:s30] =	ssyncadd.s32 $0xFFFFF800  }
0x6e: {  	_ =	swait.ge [sflag:s30], $0x800  }
0x6f: {  	[sflag:s30] =	ssyncset.done $0x0  }
0x70: {  	[sflag:s30] =	ssyncadd.s32 $0xFFFFF800  }
0x71: {  	_ =	swait.ge [sflag:s30], $0x800  }
0x72: {  	[sflag:s30] =	ssyncset.done $0x0  }
0x73: {  	[sflag:s30] =	ssyncadd.s32 $0xFFFFF800  }
0x74: {  	_ =	swait.ge [sflag:s30], $0x800  }
0x75: {  	[sflag:s30] =	ssyncset.done $0x0  }
0x76: {  	[sflag:s30] =	ssyncadd.s32 $0xFFFFF800  }
0x77: {  	_ =	swait.ge [sflag:s30], $0x800  }
0x78: {  	[sflag:s30] =	ssyncset.done $0x0  }
0x79: {  	[sflag:s30] =	ssyncadd.s32 $0xFFFFF800  }
0x7a: {  	_ =	swait.ge [sflag:s30], $0x800  }
0x7b: {  	[sflag:s30] =	ssyncset.done $0x0  }
0x7c: {  	[sflag:s30] =	ssyncadd.s32 $0xFFFFF800  }
0x7d: {  	_ =	swait.ge [sflag:s30], $0x800  }
0x7e: {  	[sflag:s30] =	ssyncset.done $0x0  }
0x7f: {  	s1 =	simm.s32 $0x0;
	[sflag:s30] =	ssyncadd.s32 $0xFFFFF800  }
0x80: {  	v2 =	vld [tilespmem:s1+$0x18880]  }
0x81: {  	v3 =	vld [tilespmem:s1+$0x18080];
	_ =	sdelay $0x1  }
0x82: {  	v4 =	vld [tilespmem:s1+$0x800]  }
0x83: {  	v5 =	vld [tilespmem:s1+$0x0]  }
0x84: {  	v50 =	vld [tilespmem:s1+$0x1000]  }
0x85: {  	v51 =	vld [tilespmem:s1+$0x1800];
	v1 =	vsub.f32 $1.000000000e+00, v3;
	v52 =	vsub.f32 $1.000000000e+00, v2  }
0x86: {  	v53 =	vld [tilespmem:s1+$0x2000]  }
0x87: {  	v58 =	vmov s0;
	v54 =	vld [tilespmem:s1+$0x2800];
	v55 =	vmul.f32 v52, v1;
	v56 =	vmul.f32 v1, v2  }
0x88: {  	v14 =	vshll.u32 v58, $0x5;
	v57 =	vld [tilespmem:s1+$0x3000];
	v8 =	vmul.f32 v52, v3  }
0x89: {  	s12 =	sshll.u32 s9, $0x1;
	v60 =	vor.u32 v0, v14;
	v59 =	vld [tilespmem:s1+$0x3800];
	v5 =	vmul.f32 v55, v5;
	v6 =	vmul.f32 v56, v50  }
0x8a: {  	v1 =	vmov s12;
	v4 =	vmul.f32 v55, v4;
	v7 =	vmul.f32 v56, v51  }
0x8b: {  	v2 =	vmul.f32 v2, v3;
	v3 =	vadd.f32 v5, v6;
	v5 =	vmul.f32 v8, v53  }
0x8c: {  	v62 =	vadd.s32 v1, v60;
	v61 =	vmul.f32 v8, v54;
	v4 =	vadd.f32 v4, v7  }
0x8d: {  	v63 =	vor.u32 $0x1, v62;
	v3 =	vadd.f32 v3, v5;
	v5 =	vmul.f32 v2, v57  }
0x8e: {  	v4 =	vadd.f32 v4, v61;
	v2 =	vmul.f32 v2, v59  }
0x8f: {  	v3 =	vadd.f32 v3, v5  }
0x90: {  	v2 =	vadd.f32 v4, v2  }
0x91: {  	[tilespmem:v62+s31+$0x0] =	vst.idx.msk $0xffff, v3  }
0x92: {  	s2 =	simm.s32 $0x10;
	[tilespmem:v63+s31+$0x0] =	vst.idx.msk $0xffff, v2  }
0x93: {  	v2 =	vld [tilespmem:s2+$0x18880]  }
0x94: {  	s1 =	simm.s32 $0x80;
	v3 =	vld [tilespmem:s2+$0x18080]  }
.LBB2_6:
0x95: {  	p0 =	sne.s32 s1, $0x1FC0  }
0x96: {  	v4 =	vld [tilespmem:s2+$0x800]  }
0x97: {  	v5 =	vld [tilespmem:s2+$0x0]  }
0x98: {  	v6 =	vld [tilespmem:s2+$0x1000]  }
0x99: {  	v9 =	vsub.f32 $1.000000000e+00, v2;
	v7 =	vld [tilespmem:s2+$0x1800];
	v8 =	vsub.f32 $1.000000000e+00, v3  }
0x9a: {  	v10 =	vld [tilespmem:s2+$0x2000]  }
0x9b: {  	s0 =	sadd.s32 $0x10, s0;
	v11 =	vld [tilespmem:s2+$0x2800];
	v12 =	vmul.f32 v9, v8;
	v8 =	vmul.f32 v8, v2  }
0x9c: {  	v14 =	vmov s0;
	v9 =	vmul.f32 v9, v3;
	v13 =	vld [tilespmem:s2+$0x3000]  }
0x9d: {  	v14 =	vshll.u32 v14, $0x5;
	v15 =	vld [tilespmem:s2+$0x3800];
	v5 =	vmul.f32 v12, v5;
	v6 =	vmul.f32 v8, v6  }
0x9e: {  	v4 =	vmul.f32 v12, v4;
	v7 =	vmul.f32 v8, v7;
	v8 =	vor.u32 v0, v14  }
0x9f: {  	v2 =	vmul.f32 v2, v3;
	v3 =	vadd.f32 v5, v6;
	v5 =	vmul.f32 v9, v10  }
0xa0: {  	v4 =	vadd.f32 v4, v7;
	v6 =	vmul.f32 v9, v11;
	v7 =	vadd.s32 v1, v8  }
0xa1: {  	v3 =	vadd.f32 v3, v5;
	v5 =	vmul.f32 v2, v13;
	v8 =	vor.u32 $0x1, v7  }
0xa2: {  	v4 =	vadd.f32 v4, v6;
	v2 =	vmul.f32 v2, v15  }
0xa3: {  	v3 =	vadd.f32 v3, v5  }
.Ltmp1:
0xa4: {  	v2 =	vadd.f32 v4, v2;
	(pc) =	sbr.rel @p0 .LBB2_6-.Ltmp1, $4  }
0xa5: {  	[tilespmem:v7+s31+$0x0] =	vst.idx.msk $0xffff, v3  }
0xa6: {  	s2 =	sshra.s32 s1, $0x2;
	[tilespmem:v8+s31+$0x0] =	vst.idx.msk $0xffff, v2  }
0xa7: {  	v2 =	vld [tilespmem:s2+$0x18880]  }
0xa8: {  	s1 =	sadd.s32 $0x40, s1;
	v3 =	vld [tilespmem:s2+$0x18080]  }
0xa9: {  	_ = 	snop  }
0xaa: {  	v4 =	vld [tilespmem:s2+$0x800]  }
0xab: {  	v5 =	vld [tilespmem:s2+$0x0]  }
0xac: {  	v6 =	vld [tilespmem:s2+$0x1000]  }
0xad: {  	v7 =	vld [tilespmem:s2+$0x1800];
	v9 =	vsub.f32 $1.000000000e+00, v2;
	v8 =	vsub.f32 $1.000000000e+00, v3  }
0xae: {  	v10 =	vld [tilespmem:s2+$0x2000]  }
0xaf: {  	v11 =	vld [tilespmem:s2+$0x2800];
	s0 =	sadd.s32 $0x10, s0;
	v12 =	vmul.f32 v9, v8;
	v8 =	vmul.f32 v8, v2  }
0xb0: {  	v13 =	vld [tilespmem:s2+$0x3000];
	v14 =	vmov s0;
	v9 =	vmul.f32 v9, v3  }
0xb1: {  	v15 =	vld [tilespmem:s2+$0x3800];
	v14 =	vshll.u32 v14, $0x5;
	v5 =	vmul.f32 v12, v5;
	v6 =	vmul.f32 v8, v6  }
0xb2: {  	v59 =	vor.u32 v0, v14;
	v4 =	vmul.f32 v12, v4;
	v7 =	vmul.f32 v8, v7  }
0xb3: {  	v2 =	vmul.f32 v2, v3;
	v60 =	vmul.f32 v9, v10;
	v3 =	vadd.f32 v5, v6  }
0xb4: {  	s9 =	sadd.s32 $0x1, s9;
	v1 =	vadd.s32 v1, v59;
	v61 =	vmul.f32 v9, v11;
	v4 =	vadd.f32 v4, v7  }
0xb5: {  	p0 =	sne.s32 s9, $0x10;
	v63 =	vor.u32 $0x1, v1;
	v62 =	vmul.f32 v2, v13;
	v3 =	vadd.f32 v3, v60  }
.Ltmp2:
0xb6: {  	v2 =	vmul.f32 v2, v15;
	v4 =	vadd.f32 v4, v61;
	(pc) =	sbr.rel @p0 .LBB2_3-.Ltmp2, $4  }
0xb7: {  	v3 =	vadd.f32 v3, v62  }
0xb8: {  	v2 =	vadd.f32 v4, v2  }
0xb9: {  	[tilespmem:v1+s31+$0x0] =	vst.idx.msk $0xffff, v3  }
0xba: {  	[tilespmem:v63+s31+$0x0] =	vst.idx.msk $0xffff, v2  }
0xbb: {  	s4 =	sadd.s32 $0x1, s4  }
0xbc: {  	s0 =	sshll.u32 s7, $0x2;
	s1 =	rddreg [dreg:$0x1];
	p0 =	sne.s32 s4, $0x4  }
.Ltmp3:
0xbd: {  	s12 =	simm.s32 $0x0;
	s0 =	sadd.s32 s1, s0;
	(pc) =	sbr.rel @p0 .LBB2_2-.Ltmp3, $4  }
0xbe: {  	[hbm4b:s0+s12] =	stream.linear.scatter [tilespmem:s31], [sflag:$0x2], $0x10000, $0x38;
	[tilespmem:$0x1A080] =	vst v63  }
0xbf: {  	_ =	swait.ge [sflag:s11], $0x10000  }
0xc0: {  	[sflag:s11] =	ssyncset.done $0x0  }
0xc1: {  	[sflag:s11] =	ssyncadd.s32 $0xFFFF0000  }
0xc2: {  	s1 =	rddreg [dreg:$0x5]  }
0xc3: {  	s0 =	rddreg [dreg:$0x4];
	s1 =	sadd.s32 $0x1, s1  }
0xc4: {  	p0 =	sne.s32 s1, s0  }
.Ltmp4:
0xc5: {  	_ = 	snop;
	(pc) =	sbr.rel @p0 .LBB2_1-.Ltmp4, $1  }
0xc6: {  	_ =	sdelay $0x3  }
0xc7: {  	_ =	sfence.sel $0x180000  }
0xc8: {  	[bflag:$0x0] =	sbarrier.arrive $0xFFFF  }
0xc9: {  	_ =	strace $0x90000047  }
0xca: {  	s0 =	stileid.u32;
	[bflag:$0x2] =	sbarrier.arrive $0xFFFF  }
0xcb: {  	p0 =	sne.s32 s0, $0x0;
	s0 =	rddreg [dreg:$0x2]  }
0xcc: {  	s0 =	sadd.s32 @!p0 $0x100000, s0  }
0xcd: {  	[sflag:s0] =	ssyncadd.tile.s32 @!p0 $0x1;
	_ =	shalt  }
.Lfunc_end2:
_tile_overlayer_lowered:
.L_overlay_start_2:
0xce: {  	(tag) =	ssettag $0x2  }
0xcf: {  	s0 =	rddreg [dreg:$0x0];
	s2 =	stileid.u32  }
0xd0: {  	s1 =	rddreg [dreg:$0x1];
	p0 =	sne.s32 s2, $0x0  }
0xd1: {  	s3 =	rddreg [dreg:$0x2];
	[bflag:$0x3] =	sbarrier.arrive $0xFFFF;
	s2 =	simm.s32 @!p0 $0x1C02  }
0xd2: {  	[timem:s3], [sflag:s2] =	dma.local @!p0 [hbm:s0], s1  }
0xd3: {  	s0 =	simm.s32 @!p0 $0x2  }
0xd4: {  	_ =	swait.ge @!p0 [sflag:s0], s1  }
0xd5: {  	s1 =	ssub.s32 @!p0 $0x0, s1;
	[sflag:s0] =	ssyncset.done @!p0 $0x0  }
0xd6: {  	[sflag:s0] =	ssyncadd.s32 @!p0 s1  }
0xd7: {  	[bflag:$0x3] =	sbarrier.arrive $0xFFFF  }
0xd8: {  	_ =	shalt  }

// kernel: sparse-core-data-format-call.cloned.1.call-start
scs
called_computation_lowered:
.L_overlay_start_0:
0x0: {  	s2 =	sld [smem:$0x3FD9]  }
0x1: {  	s3 =	sld [smem:$0x3FFE];
	_ =	sdelay $0x1  }
0x2: {  	s1 =	srdreg.scid  }
0x3: {  	s0 =	sand.u32 $0x1, s1  }
0x4: {  	s18 =	sshll.u32 s0, $0xA;
	s2 =	sadd.s32 s3, s2  }
0x5: {  	s2 =	sadd.s32 s2, s18  }
0x6: {  	[smem:$0x3FC6] =	sst s2  }
0x7: {  	_ = 	snop  }
0x8: {  	s2 =	sld [smem:$0x3FD0];
	(tm) =	ssettm $0x1  }
0x9: {  	s19 =	sld [smem:$0x3FFB];
	_ =	sdelay $0x3  }
0xa: {  	_ =	strace s19  }
0xb: {  	s3 =	sld [smem:$0x3FFC];
	_ =	sdelay $0x3  }
0xc: {  	_ =	strace s3  }
0xd: {  	s3 =	sld [smem:$0x3FFD];
	_ =	sdelay $0x3  }
0xe: {  	_ =	strace s3  }
0xf: {  	_ =	strace $0x8FFFFFFF  }
0x10: {  	s20 =	sld [smem:$0x3FDB];
	_ =	sdelay $0x1  }
0x11: {  	s4 =	simm.s32 $_scs_section_size  }
0x12: {  	s5 =	simm.s32 $_size__tile_overlayer_lowered;
	s6 =	simm.s32 $_tile_overlayer_lowered  }
0x13: {  	s23 =	simm.s32 $0x1BFF;
	s22 =	sshll.u32 s6, $0x1;
	s3 =	sadd.s32 s4, s20  }
0x14: {  	s7 =	simm.s32 $0x0;
	s21 =	sshll.u32 s5, $0x1;
	s5 =	sadd.s32 s22, s3  }
0x15: {  	[timem:s7], [sflag:s23] =	dma.local [hbm:s5], s21  }
0x16: {  	_ =	swait.ge [sflag:s23], s21  }
0x17: {  	s4 =	ssub.s32 $0x0, s21;
	[sflag:s23] =	ssyncset.done $0x0  }
0x18: {  	[sflag:s23] =	ssyncadd.s32 s4;
	_ =	sdelay $0x1  }
0x19: {  	s24 =	simm.s32 $0x1B8B  }
0x1a: {  	_ =	swait.ge [sflag:s24], $0x1  }
0x1b: {  	[sflag:s24] =	ssyncset.done $0x0  }
0x1c: {  	s26 =	simm.s32 $0x1B8E;
	s25 =	sld [smem:$0x3FFE];
	[sflag:s24] =	ssyncadd.s32 $0xFFFFFFFF  }
0x1d: {  	s27 =	simm.s32 $execute0_lowered;
	[smem:$0x3FD2] =	sst s26  }
0x1e: {  	s5 =	sshll.u32 s27, $0x1;
	_ =	strace $0x80000049;
	[dreg:$0x1] =	wrdreg $0xFFFFFFFF  }
0x1f: {  	s28 =	simm.s32 $_size_execute0_lowered;
	s3 =	sadd.s32 s3, s5;
	[dreg:$0x0] =	wrdreg $0x0  }
0x20: {  	s5 =	sshll.u32 s28, $0x1;
	[dreg:$0x2] =	wrdreg s3  }
0x21: {  	[dreg:$0x3] =	wrdreg s5  }
0x22: {  	[dreg:$0x4] =	wrdreg $0xC0  }
0x23: {  	_ =	task [dreg:s7], $0x5FFFF  }
0x24: {  	[dreg:$0x1] =	wrdreg $0xFFFFFFFF  }
0x25: {  	[dreg:$0x0] =	wrdreg $0x60  }
0x26: {  	[dreg:$0x2] =	wrdreg s25  }
0x27: {  	[dreg:$0x3] =	wrdreg s2  }
0x28: {  	[dreg:$0x4] =	wrdreg $0x9  }
0x29: {  	_ =	task.clear_ibuf [dreg:s7], $0x5FFFF;
	_ =	strace $0x90000049  }
0x2a: {  	s29 =	simm.s32 $0x9;
	_ =	strace $0x8000004B  }
0x2b: {  	_ =	swait.ge [sflag:s29], $0x1  }
0x2c: {  	[sflag:s29] =	ssyncadd.s32 $0xFFFFFFFF  }
0x2d: {  	_ =	strace $0x9000004B  }
0x2e: {  	_ =	sfence  }
0x2f: {  	s30 =	sld [smem:$0x0];
	_ =	sdelay $0x2  }
0x30: {  	s31 =	sshll.u32 s1, $0xD;
	s1 =	sshrl.u32 s1, $0x2  }
0x31: {  	s3 =	sand.u32 $0x4000, s31;
	s1 =	sadd.s32 s1, s30  }
0x32: {  	s0 =	sor.u32 s3, s0;
	s1 =	sshll.u32 s1, $0x11  }
0x33: {  	s0 =	sor.u32 s1, s0  }
0x34: {  	s0 =	sadd.s32 $0x8F2B, s0  }
0x35: {  	[sflag:s0] =	ssyncadd.remote.s32 $0x1  }
0x36: {  	_ =	sfence.sel $0xFFFF  }
0x37: {  	[dreg:$0x0] =	wrdreg $0xFFFFFFFF;
	(pc) =	sbr.abs _section_cstart, $3  }
0x38: {  	[dreg:$0x1] =	wrdreg $0xFFFFFFFF  }
0x39: {  	_ =	task.clear_ibuf [dreg:s7], $0x2FFFF;
	_ =	strace $0x9FFFFFFF  }
0x3a: {  	(tm) =	ssettm $0x7FFFFFFF  }
0x3b: {  	_ =	shalt  }
tec
execute0_lowered:
.L_overlay_start_1:
0x0: {  	(tag) =	ssettag $0x1  }
0x1: {  	s0 =	srdreg.scid  }
0x2: {  	s1 =	sshll.u32 s0, $0x4  }
0x3: {  	s4 =	rddreg [dreg:$0x0];
	s0 =	stileid.u32;
	s1 =	sand.u32 $0x10, s1  }
0x4: {  	s2 =	rddreg [dreg:$0x1];
	s7 =	simm.s32 $0x1;
	s1 =	sor.u32 s0, s1  }
0x5: {  	s8 =	simm.s32 $0x2;
	s11 =	simm.s32 $0x0;
	s3 =	sshll.u32 s1, $0x7  }
0x6: {  	s10 =	simm.s32 $0x0;
	s4 =	sadd.s32 $0xC00, s4;
	s6 =	ssub.s32 $0x40000, s3  }
.Ltmp0:
0x7: {  	s1 =	rddreg [dreg:$0x2];
	s5 =	sand.u32 $0xF80, s6;
	(pc) =	sbr.rel .LBB1_1-.Ltmp0, $4  }
0x8: {  	_ =	strace $0x8000004A;
	s9 =	smov.u32 s3;
	p0 =	sne.s32 s5, $0x0  }
0x9: {  	s6 =	sshrl.u32 s6, $0xC;
	s5 =	simm.s32 $0x1;
	s7 =	simm.s32 @!p0 $0x0  }
0xa: {  	[sflag:s5] =	ssyncpa.u1 $0x0;
	p0 =	por $0x0, $0x0;
	s6 =	sadd.s32 s7, s6  }
0xb: {  	[sflag:s8] =	ssyncpa.u1 $0x0;
	s8 =	simm.s32 $0x200000;
	s7 =	sadd.s32 $0x1, s6  }
.LBB1_4:
0xc: {  	s13 =	sshll.u32 s11, $0x3  }
0xd: {  	s15 =	sand.u32 $0x78, s11;
	s13 =	sand.u32 $0x3FC00, s13  }
0xe: {  	s30 =	sand.u32 $0xF8000, s11;
	s31 =	sand.u32 $0x7, s11;
	s13 =	sor.u32 s15, s13  }
0xf: {  	s11 =	sshll.u32 s31, $0x12;
	s15 =	sadd.s32 s2, s30;
	s13 =	sshrl.u32 s13, $0x3  }
0x10: {  	[tilespmem:s14+$0x0 ss:$0x81] =	vst.msk $0xffff, v0;
	s11 =	sor.u32 $0x400, s11;
	s13 =	sadd.s32 s13, s15  }
0x11: {  	[hbm4b:s13+s11] =	stream.strided.scatter [tilespmem:s12], [sflag:$0x2], $0x1000, s8, s11, $0x20;
	[tilespmem:$0x4040] =	vst v63  }
.LBB1_5:
0x12: {  	s13 =	sadd.s32 $0x1000, s9  }
0x13: {  	p2 =	sgt.s32 s13, $0x3FFFF  }
0x14: {  	s13 =	smov.u32 @p2 s3;
	p2 =	sne.s32 s10, s7  }
.Ltmp1:
0x15: {  	p1 =	slt.u32 s10, $0x2;
	(pc) =	sbr.rel @!p2 .LBB1_6-.Ltmp1, $4  }
0x16: {  	s12 =	simm.s32 @!p1 $0x2  }
0x17: {  	s14 =	sadd.s32 $0x1, s10;
	_ =	swait.ge @!p1 [sflag:s12], $0x1000  }
0x18: {  	s11 =	smov.u32 s9;
	p0 =	por !p0, !p0;
	[sflag:s12] =	ssyncset.done @!p1 $0x0  }
0x19: {  	s10 =	smov.u32 s14;
	s9 =	smov.u32 s13;
	[sflag:s12] =	ssyncadd.s32 @!p1 $0xFFFFF000  }
.LBB1_1:
0x1a: {  	p1 =	sge.u32 s10, s6  }
0x1b: {  	s31 =	sadd.s32 $0xFFFFFFFF, s10;
	s12 =	sxor.u32 @!p1 $0xFFFFFFFF, s10;
	s13 =	sshll.u32 @!p1 s9, $0x4  }
0x1c: {  	s14 =	simm.s32 @!p1 $0x20;
	s12 =	sshll.u32 @!p1 s12, $0xC;
	s13 =	sand.u32 @!p1 $0x3FFFF0, s13  }
0x1d: {  	s15 =	simm.s32 @!p1 $0x80;
	s12 =	sand.u32 @!p1 $0x1000, s12;
	s13 =	sadd.s32 @!p1 s4, s13  }
0x1e: {  	[tilespmem:s12], [sflag:$0x1] =	stream.strided.gather @!p1 [hbm4b:s13+s14], $0x1000, s15, s14, $0x38;
	[tilespmem:$0x4040] =	vst v63  }
0x1f: {  	p1 =	sge.u32 s31, s6  }
.Ltmp2:
0x20: {  	_ = 	snop;
	(pc) =	sbr.rel @p1 .LBB1_5-.Ltmp2, $1  }
0x21: {  	_ =	sdelay $0x3  }
0x22: {  	s12 =	simm.s32 $0x1  }
0x23: {  	_ =	swait.ge [sflag:s5], $0x1000;
	s12 =	simm.s32 @!p0 $0x0  }
0x24: {  	[sflag:s5] =	ssyncset.done $0x0;
	s13 =	sshll.u32 s12, $0xC  }
0x25: {  	[sflag:s5] =	ssyncadd.s32 $0xFFFFF000;
	s16 =	sor.u32 $0x10, s13  }
0x26: {  	s12 =	smul.u32 $0x4080, s12;
	v1 =	vld [tilespmem:s16+$0x0]  }
0x27: {  	s30 =	sand.u32 $0x1, s10;
	v0 =	vld [tilespmem:s16+$0xFFFFFFF0]  }
0x28: {  	s14 =	smul.u32 $0x4080, s30;
	s12 =	sshrl.u32 s12, $0x2  }
0x29: {  	s13 =	sor.u32 $0x2000, s12  }
0x2a: {  	s31 =	sshrl.u32 s14, $0x2;
	s14 =	sadd.s32 $0x0, s13  }
0x2b: {  	s15 =	simm.s32 $0x4;
	s16 =	sadd.s32 $0x20, s16;
	s12 =	sor.u32 $0x2000, s31;
	[tilespmem:s14+$0x810 ss:$0x81] =	vst.msk $0xffff, v1  }
.LBB1_3:
0x2c: {  	v1 =	vld [tilespmem:s16+$0x0];
	p1 =	sne.s32 s15, $0x1FC;
	[tilespmem:s14+$0x0 ss:$0x81] =	vst.msk $0xffff, v0;
	s14 =	smov.u32 s15;
	s15 =	sadd.s32 $0x4, s15  }
.Ltmp3:
0x2d: {  	v0 =	vld [tilespmem:s16+$0xFFFFFFF0];
	(pc) =	sbr.rel @p1 .LBB1_3-.Ltmp3, $4  }
0x2e: {  	_ = 	snop  }
0x2f: {  	s14 =	sshra.s32 s14, $0x2  }
0x30: {  	s14 =	sadd.s32 s14, s13  }
0x31: {  	s16 =	sadd.s32 $0x20, s16;
	[tilespmem:s14+$0x810 ss:$0x81] =	vst.msk $0xffff, v1  }
.Ltmp4:
0x32: {  	_ = 	snop;
	(pc) =	sbr.rel .LBB1_4-.Ltmp4, $1  }
0x33: {  	_ =	sdelay $0x3  }
.LBB1_6:
0x34: {  	_ =	sfence.sel $0x180000  }
0x35: {  	s2 =	simm.s32 $0x1;
	[bflag:$0x0] =	sbarrier.arrive $0xFFFF  }
0x36: {  	s31 =	simm.s32 $0x2;
	[sflag:s2] =	ssyncpa.u1 $0x1  }
0x37: {  	[sflag:s31] =	ssyncpa.u1 $0x1  }
0x38: {  	p0 =	sne.s32 s0, $0x0;
	_ =	strace $0x9000004A  }
0x39: {  	s0 =	sadd.s32 @!p0 $0x100000, s1;
	[bflag:$0x2] =	sbarrier.arrive $0xFFFF  }
0x3a: {  	[sflag:s0] =	ssyncadd.tile.s32 @!p0 $0x1;
	_ =	shalt  }
.Lfunc_end1:
_tile_overlayer_lowered:
.L_overlay_start_2:
0x3b: {  	(tag) =	ssettag $0x2  }
0x3c: {  	s0 =	rddreg [dreg:$0x0];
	s2 =	stileid.u32  }
0x3d: {  	s1 =	rddreg [dreg:$0x1];
	p0 =	sne.s32 s2, $0x0  }
0x3e: {  	s3 =	rddreg [dreg:$0x2];
	[bflag:$0x3] =	sbarrier.arrive $0xFFFF;
	s2 =	simm.s32 @!p0 $0x1C01  }
0x3f: {  	[timem:s3], [sflag:s2] =	dma.local @!p0 [hbm:s0], s1  }
0x40: {  	s0 =	simm.s32 @!p0 $0x1  }
0x41: {  	_ =	swait.ge @!p0 [sflag:s0], s1  }
0x42: {  	s1 =	ssub.s32 @!p0 $0x0, s1;
	[sflag:s0] =	ssyncset.done @!p0 $0x0  }
0x43: {  	[sflag:s0] =	ssyncadd.s32 @!p0 s1  }
0x44: {  	[bflag:$0x3] =	sbarrier.arrive $0xFFFF  }
0x45: {  	_ =	shalt  }

</sc_bundles>
